<compile_context>
chip_gen: v7x
topology: tpu7x:2x2x1
jax: 0.10.2.dev20260603
libtpu: 0.0.44.dev20260713+nightly
codegen_flags: <defaults>
</compile_context>

<pallas_src>
import functools

import jax
import jax.numpy as jnp
from jax import lax
from jax.experimental import pallas as pl
from jax.experimental.pallas import tpu as pltpu
from jax.experimental.pallas import tpu_sc as plsc

_DIM = 128
_SIZE = 262144

_NC = 2
_NS = 16
_NW = _NC * _NS

_ROWS = 8
_NROWB = _DIM // _ROWS
_NCOLH = _NW // _NROWB
_CPW = _SIZE // _NCOLH
_CH = 8064
_DEPTH = 2
_OFFS = [i * _CH for i in range(_CPW // _CH)] + [(_CPW // _CH) * _CH]
_LENS = [_CH] * (_CPW // _CH) + [_CPW - (_CPW // _CH) * _CH]
_NCHUNK = len(_OFFS)

_mesh = plsc.VectorSubcoreMesh(core_axis_name="c", subcore_axis_name="s")


@functools.partial(
    pl.kernel,
    mesh=_mesh,
    out_type=jax.ShapeDtypeStruct((_DIM, _SIZE), jnp.float32),
    scratch_types=(
        [pltpu.VMEM((_ROWS, _CH), jnp.float32)] * _DEPTH
        + [pltpu.SemaphoreType.DMA] * (2 * _DEPTH)
    ),
)
def _sc_copy(bank_hbm, out_hbm, *scratch):
    bufs = scratch[:_DEPTH]
    in_sems = scratch[_DEPTH:2 * _DEPTH]
    out_sems = scratch[2 * _DEPTH:]

    wid = lax.axis_index("s") * _NC + lax.axis_index("c")
    band = wid % _NROWB
    half = wid // _NROWB
    r0 = band * _ROWS
    c0 = half * _CPW

    def _src(i):
        return bank_hbm.at[pl.ds(r0, _ROWS), pl.ds(c0 + _OFFS[i], _LENS[i])]

    def _dst(i):
        return out_hbm.at[pl.ds(r0, _ROWS), pl.ds(c0 + _OFFS[i], _LENS[i])]

    def _bufref(b, i):
        if _LENS[i] == _CH:
            return bufs[b]
        return bufs[b].at[:, pl.ds(0, _LENS[i])]

    for i in range(_DEPTH):
        pltpu.make_async_copy(_src(i), _bufref(i, i), in_sems[i]).start()
    _LAG = 1
    for i in range(_NCHUNK):
        b = i % _DEPTH
        pltpu.make_async_copy(_src(i), _bufref(b, i), in_sems[b]).wait()
        pltpu.make_async_copy(_bufref(b, i), _dst(i), out_sems[b]).start()
        j = i - _LAG
        if j >= 0 and j + _DEPTH < _NCHUNK:
            bj = j % _DEPTH
            pltpu.make_async_copy(_bufref(bj, j), _dst(j), out_sems[bj]).wait()
            pltpu.make_async_copy(_src(j + _DEPTH), _bufref(bj, j + _DEPTH),
                                  in_sems[bj]).start()
    for i in range(max(0, _NCHUNK - _DEPTH - _LAG + 1), _NCHUNK):
        b = i % _DEPTH
        pltpu.make_async_copy(_bufref(b, i), _dst(i), out_sems[b]).wait()


def kernel(output, bank):
    return (output, _sc_copy(bank))

# --- scband reference (transcript-rebuilt; emitter-appended) ---
"""Pipeline reference for scband-memory-bank-module-18150531793571 (READ-ONLY COPY).

The authoritative reference and input builder live on the scoring server;
editing this copy changes nothing except your own understanding.
"""

import jax, jax.numpy as jnp
import numpy as np

SIZE = 262144
DIM = 128
BATCH = 16384


def setup_inputs(seed: int = 0) -> dict:
    key = jax.random.key(seed)
    k_out, k_bank = jax.random.split(key)
    output = jax.random.normal(k_out, (BATCH, DIM), dtype=jnp.float32)
    # Bank buffer: initialized as randn(dim, size) then L2-normalized along dim=0,
    # exactly mirroring MemoryBankModule._init_memory_bank.
    bank = jax.random.normal(k_bank, (DIM, SIZE), dtype=jnp.float32)
    norm = jnp.sqrt(jnp.sum(bank * bank, axis=0, keepdims=True))
    bank = bank / jnp.maximum(norm, 1e-12)
    return {"output": output, "bank": bank}


def reference(output, bank):
    # forward(output, labels=None, update=False) with size > 0 and bank already
    # initialized: returns (output, bank.clone().detach()).
    # clone().detach() -> stop_gradient of a copy of the bank buffer.
    bank_snapshot = jax.lax.stop_gradient(bank)
    return (output, bank_snapshot)

if __name__ == "__main__":
    import jax
    _d = setup_inputs()
    print(jax.jit(kernel)(*tuple(_d.values())))

</pallas_src>

<mosaic_0001>
#map = affine_map<(d0, d1) -> (0, 0)>
module attributes {stable_mosaic.version = 14 : i64} {
  func.func @_sc_copy(%arg0: i32, %arg1: i32, %arg2: memref<128x262144xf32, #tpu.memory_space<hbm>>, %arg3: memref<128x262144xf32, #tpu.memory_space<hbm>>, %arg4: memref<8x8064xf32, #tpu.memory_space<vmem>>, %arg5: memref<8x8064xf32, #tpu.memory_space<vmem>>, %arg6: memref<!tpu.dma_semaphore, #tpu.memory_space<semaphore_mem>>, %arg7: memref<!tpu.dma_semaphore, #tpu.memory_space<semaphore_mem>>, %arg8: memref<!tpu.dma_semaphore, #tpu.memory_space<semaphore_mem>>, %arg9: memref<!tpu.dma_semaphore, #tpu.memory_space<semaphore_mem>>) attributes {dimension_semantics = [#tpu.dimension_semantics<core_parallel>, #tpu.dimension_semantics<subcore_parallel>], iteration_bounds = array<i64: 2, 16>, scalar_prefetch = 0 : i64, scratch_operands = 6 : i64, tpu.core_type = #tpu.core_type<sc_vector_subcore>, window_params = [{transform_indices = #map}, {transform_indices = #map}]} {
    %mul3A = arith.constant 2 : i32
    %mul3A_0 = arith.muli %arg1, %mul3A : i32
    %add3A = arith.addi %mul3A_0, %arg0 : i32
    %jit3A = arith.constant 16 : i32
    %eq3A = arith.constant 0 : i32
    %eq3A_1 = arith.cmpi eq, %jit3A, %eq3A : i32
    %jit3A_2 = arith.constant 1 : i32
    %select_n3A = arith.select %eq3A_1, %jit3A_2, %jit3A : i32
    %rem3A = arith.remsi %add3A, %select_n3A : i32
    %ne3A = arith.constant 0 : i32
    %ne3A_3 = arith.cmpi ne, %rem3A, %ne3A : i32
    %lt3A = arith.constant 0 : i32
    %lt3A_4 = arith.cmpi slt, %rem3A, %lt3A : i32
    %lt3A_5 = arith.constant 0 : i32
    %lt3A_6 = arith.cmpi slt, %select_n3A, %lt3A_5 : i32
    %ne3A_7 = arith.xori %lt3A_4, %lt3A_6 : i1
    %and3A = arith.andi %ne3A_7, %ne3A_3 : i1
    %add3A_8 = arith.addi %rem3A, %select_n3A : i32
    %select_n3A_9 = arith.select %and3A, %add3A_8, %rem3A : i32
    %jit3A_10 = arith.constant 16 : i32
    %div3A = arith.divsi %add3A, %jit3A_10 : i32
    %sign3A = arith.constant 0 : i32
    %sign3A_11 = arith.cmpi sgt, %add3A, %sign3A : i32
    %sign3A_12 = arith.extui %sign3A_11 : i1 to i32
    %sign3A_13 = arith.constant 0 : i32
    %sign3A_14 = arith.cmpi slt, %add3A, %sign3A_13 : i32
    %sign3A_15 = arith.extui %sign3A_14 : i1 to i32
    %sign3A_16 = arith.subi %sign3A_12, %sign3A_15 : i32
    %sign3A_17 = arith.constant 0 : i32
    %sign3A_18 = arith.cmpi sgt, %jit3A_10, %sign3A_17 : i32
    %sign3A_19 = arith.extui %sign3A_18 : i1 to i32
    %sign3A_20 = arith.constant 0 : i32
    %sign3A_21 = arith.cmpi slt, %jit3A_10, %sign3A_20 : i32
    %sign3A_22 = arith.extui %sign3A_21 : i1 to i32
    %sign3A_23 = arith.subi %sign3A_19, %sign3A_22 : i32
    %ne3A_24 = arith.cmpi ne, %sign3A_16, %sign3A_23 : i32
    %rem3A_25 = arith.remsi %add3A, %jit3A_10 : i32
    %ne3A_26 = arith.constant 0 : i32
    %ne3A_27 = arith.cmpi ne, %rem3A_25, %ne3A_26 : i32
    %and3A_28 = arith.andi %ne3A_24, %ne3A_27 : i1
    %sub3A = arith.constant 1 : i32
    %sub3A_29 = arith.subi %div3A, %sub3A : i32
    %select_n3A_30 = arith.select %and3A_28, %sub3A_29, %div3A : i32
    %mul3A_31 = arith.constant 8 : i32
    %mul3A_32 = arith.muli %select_n3A_9, %mul3A_31 : i32
    %mul3A_33 = arith.constant 131072 : i32
    %mul3A_34 = arith.muli %select_n3A_30, %mul3A_33 : i32
    %add3A_35 = arith.constant 0 : i32
    %add3A_36 = arith.addi %mul3A_34, %add3A_35 : i32
    %dma_start3A = tpu.memref_slice %arg2[%mul3A_32, %add3A_36] : memref<128x262144xf32, #tpu.memory_space<hbm>> -> memref<8x8064xf32, #tpu.memory_space<hbm>>
    %dma_start3A_37 = tpu.memref_slice %arg2[%mul3A_32, %add3A_36] : memref<128x262144xf32, #tpu.memory_space<hbm>> -> memref<8x8064xf32, #tpu.memory_space<hbm>>
    tpu.enqueue_dma source(%dma_start3A_37 : memref<8x8064xf32, #tpu.memory_space<hbm>>) target(%arg4 : memref<8x8064xf32, #tpu.memory_space<vmem>>) target_semaphore(%arg6 : memref<!tpu.dma_semaphore, #tpu.memory_space<semaphore_mem>>)
    %add3A_38 = arith.constant 8064 : i32
    %add3A_39 = arith.addi %mul3A_34, %add3A_38 : i32
    %dma_start3A_40 = tpu.memref_slice %arg2[%mul3A_32, %add3A_39] : memref<128x262144xf32, #tpu.memory_space<hbm>> -> memref<8x8064xf32, #tpu.memory_space<hbm>>
    %dma_start3A_41 = tpu.memref_slice %arg2[%mul3A_32, %add3A_39] : memref<128x262144xf32, #tpu.memory_space<hbm>> -> memref<8x8064xf32, #tpu.memory_space<hbm>>
    tpu.enqueue_dma source(%dma_start3A_41 : memref<8x8064xf32, #tpu.memory_space<hbm>>) target(%arg5 : memref<8x8064xf32, #tpu.memory_space<vmem>>) target_semaphore(%arg7 : memref<!tpu.dma_semaphore, #tpu.memory_space<semaphore_mem>>)
    %add3A_42 = arith.constant 0 : i32
    %add3A_43 = arith.addi %mul3A_34, %add3A_42 : i32
    %dma_wait3A = tpu.memref_slice %arg2[%mul3A_32, %add3A_43] : memref<128x262144xf32, #tpu.memory_space<hbm>> -> memref<8x8064xf32, #tpu.memory_space<hbm>>
    %dma_wait3A_44 = tpu.memref_slice %arg2[%mul3A_32, %add3A_43] : memref<128x262144xf32, #tpu.memory_space<hbm>> -> memref<8x8064xf32, #tpu.memory_space<hbm>>
    tpu.wait_dma2 semaphore(%arg6 : memref<!tpu.dma_semaphore, #tpu.memory_space<semaphore_mem>>) src(%dma_wait3A_44 : memref<8x8064xf32, #tpu.memory_space<hbm>>) dst(%arg4 : memref<8x8064xf32, #tpu.memory_space<vmem>>)
    %add3A_45 = arith.constant 0 : i32
    %add3A_46 = arith.addi %mul3A_34, %add3A_45 : i32
    %dma_start3A_47 = tpu.memref_slice %arg3[%mul3A_32, %add3A_46] : memref<128x262144xf32, #tpu.memory_space<hbm>> -> memref<8x8064xf32, #tpu.memory_space<hbm>>
    %dma_start3A_48 = tpu.memref_slice %arg3[%mul3A_32, %add3A_46] : memref<128x262144xf32, #tpu.memory_space<hbm>> -> memref<8x8064xf32, #tpu.memory_space<hbm>>
    tpu.enqueue_dma source(%arg4 : memref<8x8064xf32, #tpu.memory_space<vmem>>) target(%dma_start3A_48 : memref<8x8064xf32, #tpu.memory_space<hbm>>) target_semaphore(%arg8 : memref<!tpu.dma_semaphore, #tpu.memory_space<semaphore_mem>>)
    %add3A_49 = arith.constant 8064 : i32
    %add3A_50 = arith.addi %mul3A_34, %add3A_49 : i32
    %dma_wait3A_51 = tpu.memref_slice %arg2[%mul3A_32, %add3A_50] : memref<128x262144xf32, #tpu.memory_space<hbm>> -> memref<8x8064xf32, #tpu.memory_space<hbm>>
    %dma_wait3A_52 = tpu.memref_slice %arg2[%mul3A_32, %add3A_50] : memref<128x262144xf32, #tpu.memory_space<hbm>> -> memref<8x8064xf32, #tpu.memory_space<hbm>>
    tpu.wait_dma2 semaphore(%arg7 : memref<!tpu.dma_semaphore, #tpu.memory_space<semaphore_mem>>) src(%dma_wait3A_52 : memref<8x8064xf32, #tpu.memory_space<hbm>>) dst(%arg5 : memref<8x8064xf32, #tpu.memory_space<vmem>>)
    %add3A_53 = arith.constant 8064 : i32
    %add3A_54 = arith.addi %mul3A_34, %add3A_53 : i32
    %dma_start3A_55 = tpu.memref_slice %arg3[%mul3A_32, %add3A_54] : memref<128x262144xf32, #tpu.memory_space<hbm>> -> memref<8x8064xf32, #tpu.memory_space<hbm>>
    %dma_start3A_56 = tpu.memref_slice %arg3[%mul3A_32, %add3A_54] : memref<128x262144xf32, #tpu.memory_space<hbm>> -> memref<8x8064xf32, #tpu.memory_space<hbm>>
    tpu.enqueue_dma source(%arg5 : memref<8x8064xf32, #tpu.memory_space<vmem>>) target(%dma_start3A_56 : memref<8x8064xf32, #tpu.memory_space<hbm>>) target_semaphore(%arg9 : memref<!tpu.dma_semaphore, #tpu.memory_space<semaphore_mem>>)
    %add3A_57 = arith.constant 0 : i32
    %add3A_58 = arith.addi %mul3A_34, %add3A_57 : i32
    %dma_wait3A_59 = tpu.memref_slice %arg3[%mul3A_32, %add3A_58] : memref<128x262144xf32, #tpu.memory_space<hbm>> -> memref<8x8064xf32, #tpu.memory_space<hbm>>
    %dma_wait3A_60 = tpu.memref_slice %arg3[%mul3A_32, %add3A_58] : memref<128x262144xf32, #tpu.memory_space<hbm>> -> memref<8x8064xf32, #tpu.memory_space<hbm>>
    tpu.wait_dma2 semaphore(%arg8 : memref<!tpu.dma_semaphore, #tpu.memory_space<semaphore_mem>>) src(%arg4 : memref<8x8064xf32, #tpu.memory_space<vmem>>) dst(%dma_wait3A_60 : memref<8x8064xf32, #tpu.memory_space<hbm>>)
    %add3A_61 = arith.constant 16128 : i32
    %add3A_62 = arith.addi %mul3A_34, %add3A_61 : i32
    %dma_start3A_63 = tpu.memref_slice %arg2[%mul3A_32, %add3A_62] : memref<128x262144xf32, #tpu.memory_space<hbm>> -> memref<8x8064xf32, #tpu.memory_space<hbm>>
    %dma_start3A_64 = tpu.memref_slice %arg2[%mul3A_32, %add3A_62] : memref<128x262144xf32, #tpu.memory_space<hbm>> -> memref<8x8064xf32, #tpu.memory_space<hbm>>
    tpu.enqueue_dma source(%dma_start3A_64 : memref<8x8064xf32, #tpu.memory_space<hbm>>) target(%arg4 : memref<8x8064xf32, #tpu.memory_space<vmem>>) target_semaphore(%arg6 : memref<!tpu.dma_semaphore, #tpu.memory_space<semaphore_mem>>)
    %add3A_65 = arith.constant 16128 : i32
    %add3A_66 = arith.addi %mul3A_34, %add3A_65 : i32
    %dma_wait3A_67 = tpu.memref_slice %arg2[%mul3A_32, %add3A_66] : memref<128x262144xf32, #tpu.memory_space<hbm>> -> memref<8x8064xf32, #tpu.memory_space<hbm>>
    %dma_wait3A_68 = tpu.memref_slice %arg2[%mul3A_32, %add3A_66] : memref<128x262144xf32, #tpu.memory_space<hbm>> -> memref<8x8064xf32, #tpu.memory_space<hbm>>
    tpu.wait_dma2 semaphore(%arg6 : memref<!tpu.dma_semaphore, #tpu.memory_space<semaphore_mem>>) src(%dma_wait3A_68 : memref<8x8064xf32, #tpu.memory_space<hbm>>) dst(%arg4 : memref<8x8064xf32, #tpu.memory_space<vmem>>)
    %add3A_69 = arith.constant 16128 : i32
    %add3A_70 = arith.addi %mul3A_34, %add3A_69 : i32
    %dma_start3A_71 = tpu.memref_slice %arg3[%mul3A_32, %add3A_70] : memref<128x262144xf32, #tpu.memory_space<hbm>> -> memref<8x8064xf32, #tpu.memory_space<hbm>>
    %dma_start3A_72 = tpu.memref_slice %arg3[%mul3A_32, %add3A_70] : memref<128x262144xf32, #tpu.memory_space<hbm>> -> memref<8x8064xf32, #tpu.memory_space<hbm>>
    tpu.enqueue_dma source(%arg4 : memref<8x8064xf32, #tpu.memory_space<vmem>>) target(%dma_start3A_72 : memref<8x8064xf32, #tpu.memory_space<hbm>>) target_semaphore(%arg8 : memref<!tpu.dma_semaphore, #tpu.memory_space<semaphore_mem>>)
    %add3A_73 = arith.constant 8064 : i32
    %add3A_74 = arith.addi %mul3A_34, %add3A_73 : i32
    %dma_wait3A_75 = tpu.memref_slice %arg3[%mul3A_32, %add3A_74] : memref<128x262144xf32, #tpu.memory_space<hbm>> -> memref<8x8064xf32, #tpu.memory_space<hbm>>
    %dma_wait3A_76 = tpu.memref_slice %arg3[%mul3A_32, %add3A_74] : memref<128x262144xf32, #tpu.memory_space<hbm>> -> memref<8x8064xf32, #tpu.memory_space<hbm>>
    tpu.wait_dma2 semaphore(%arg9 : memref<!tpu.dma_semaphore, #tpu.memory_space<semaphore_mem>>) src(%arg5 : memref<8x8064xf32, #tpu.memory_space<vmem>>) dst(%dma_wait3A_76 : memref<8x8064xf32, #tpu.memory_space<hbm>>)
    %add3A_77 = arith.constant 24192 : i32
    %add3A_78 = arith.addi %mul3A_34, %add3A_77 : i32
    %dma_start3A_79 = tpu.memref_slice %arg2[%mul3A_32, %add3A_78] : memref<128x262144xf32, #tpu.memory_space<hbm>> -> memref<8x8064xf32, #tpu.memory_space<hbm>>
    %dma_start3A_80 = tpu.memref_slice %arg2[%mul3A_32, %add3A_78] : memref<128x262144xf32, #tpu.memory_space<hbm>> -> memref<8x8064xf32, #tpu.memory_space<hbm>>
    tpu.enqueue_dma source(%dma_start3A_80 : memref<8x8064xf32, #tpu.memory_space<hbm>>) target(%arg5 : memref<8x8064xf32, #tpu.memory_space<vmem>>) target_semaphore(%arg7 : memref<!tpu.dma_semaphore, #tpu.memory_space<semaphore_mem>>)
    %add3A_81 = arith.constant 24192 : i32
    %add3A_82 = arith.addi %mul3A_34, %add3A_81 : i32
    %dma_wait3A_83 = tpu.memref_slice %arg2[%mul3A_32, %add3A_82] : memref<128x262144xf32, #tpu.memory_space<hbm>> -> memref<8x8064xf32, #tpu.memory_space<hbm>>
    %dma_wait3A_84 = tpu.memref_slice %arg2[%mul3A_32, %add3A_82] : memref<128x262144xf32, #tpu.memory_space<hbm>> -> memref<8x8064xf32, #tpu.memory_space<hbm>>
    tpu.wait_dma2 semaphore(%arg7 : memref<!tpu.dma_semaphore, #tpu.memory_space<semaphore_mem>>) src(%dma_wait3A_84 : memref<8x8064xf32, #tpu.memory_space<hbm>>) dst(%arg5 : memref<8x8064xf32, #tpu.memory_space<vmem>>)
    %add3A_85 = arith.constant 24192 : i32
    %add3A_86 = arith.addi %mul3A_34, %add3A_85 : i32
    %dma_start3A_87 = tpu.memref_slice %arg3[%mul3A_32, %add3A_86] : memref<128x262144xf32, #tpu.memory_space<hbm>> -> memref<8x8064xf32, #tpu.memory_space<hbm>>
    %dma_start3A_88 = tpu.memref_slice %arg3[%mul3A_32, %add3A_86] : memref<128x262144xf32, #tpu.memory_space<hbm>> -> memref<8x8064xf32, #tpu.memory_space<hbm>>
    tpu.enqueue_dma source(%arg5 : memref<8x8064xf32, #tpu.memory_space<vmem>>) target(%dma_start3A_88 : memref<8x8064xf32, #tpu.memory_space<hbm>>) target_semaphore(%arg9 : memref<!tpu.dma_semaphore, #tpu.memory_space<semaphore_mem>>)
    %add3A_89 = arith.constant 16128 : i32
    %add3A_90 = arith.addi %mul3A_34, %add3A_89 : i32
    %dma_wait3A_91 = tpu.memref_slice %arg3[%mul3A_32, %add3A_90] : memref<128x262144xf32, #tpu.memory_space<hbm>> -> memref<8x8064xf32, #tpu.memory_space<hbm>>
    %dma_wait3A_92 = tpu.memref_slice %arg3[%mul3A_32, %add3A_90] : memref<128x262144xf32, #tpu.memory_space<hbm>> -> memref<8x8064xf32, #tpu.memory_space<hbm>>
    tpu.wait_dma2 semaphore(%arg8 : memref<!tpu.dma_semaphore, #tpu.memory_space<semaphore_mem>>) src(%arg4 : memref<8x8064xf32, #tpu.memory_space<vmem>>) dst(%dma_wait3A_92 : memref<8x8064xf32, #tpu.memory_space<hbm>>)
    %add3A_93 = arith.constant 32256 : i32
    %add3A_94 = arith.addi %mul3A_34, %add3A_93 : i32
    %dma_start3A_95 = tpu.memref_slice %arg2[%mul3A_32, %add3A_94] : memref<128x262144xf32, #tpu.memory_space<hbm>> -> memref<8x8064xf32, #tpu.memory_space<hbm>>
    %dma_start3A_96 = tpu.memref_slice %arg2[%mul3A_32, %add3A_94] : memref<128x262144xf32, #tpu.memory_space<hbm>> -> memref<8x8064xf32, #tpu.memory_space<hbm>>
    tpu.enqueue_dma source(%dma_start3A_96 : memref<8x8064xf32, #tpu.memory_space<hbm>>) target(%arg4 : memref<8x8064xf32, #tpu.memory_space<vmem>>) target_semaphore(%arg6 : memref<!tpu.dma_semaphore, #tpu.memory_space<semaphore_mem>>)
    %add3A_97 = arith.constant 32256 : i32
    %add3A_98 = arith.addi %mul3A_34, %add3A_97 : i32
    %dma_wait3A_99 = tpu.memref_slice %arg2[%mul3A_32, %add3A_98] : memref<128x262144xf32, #tpu.memory_space<hbm>> -> memref<8x8064xf32, #tpu.memory_space<hbm>>
    %dma_wait3A_100 = tpu.memref_slice %arg2[%mul3A_32, %add3A_98] : memref<128x262144xf32, #tpu.memory_space<hbm>> -> memref<8x8064xf32, #tpu.memory_space<hbm>>
    tpu.wait_dma2 semaphore(%arg6 : memref<!tpu.dma_semaphore, #tpu.memory_space<semaphore_mem>>) src(%dma_wait3A_100 : memref<8x8064xf32, #tpu.memory_space<hbm>>) dst(%arg4 : memref<8x8064xf32, #tpu.memory_space<vmem>>)
    %add3A_101 = arith.constant 32256 : i32
    %add3A_102 = arith.addi %mul3A_34, %add3A_101 : i32
    %dma_start3A_103 = tpu.memref_slice %arg3[%mul3A_32, %add3A_102] : memref<128x262144xf32, #tpu.memory_space<hbm>> -> memref<8x8064xf32, #tpu.memory_space<hbm>>
    %dma_start3A_104 = tpu.memref_slice %arg3[%mul3A_32, %add3A_102] : memref<128x262144xf32, #tpu.memory_space<hbm>> -> memref<8x8064xf32, #tpu.memory_space<hbm>>
    tpu.enqueue_dma source(%arg4 : memref<8x8064xf32, #tpu.memory_space<vmem>>) target(%dma_start3A_104 : memref<8x8064xf32, #tpu.memory_space<hbm>>) target_semaphore(%arg8 : memref<!tpu.dma_semaphore, #tpu.memory_space<semaphore_mem>>)
    %add3A_105 = arith.constant 24192 : i32
    %add3A_106 = arith.addi %mul3A_34, %add3A_105 : i32
    %dma_wait3A_107 = tpu.memref_slice %arg3[%mul3A_32, %add3A_106] : memref<128x262144xf32, #tpu.memory_space<hbm>> -> memref<8x8064xf32, #tpu.memory_space<hbm>>
    %dma_wait3A_108 = tpu.memref_slice %arg3[%mul3A_32, %add3A_106] : memref<128x262144xf32, #tpu.memory_space<hbm>> -> memref<8x8064xf32, #tpu.memory_space<hbm>>
    tpu.wait_dma2 semaphore(%arg9 : memref<!tpu.dma_semaphore, #tpu.memory_space<semaphore_mem>>) src(%arg5 : memref<8x8064xf32, #tpu.memory_space<vmem>>) dst(%dma_wait3A_108 : memref<8x8064xf32, #tpu.memory_space<hbm>>)
    %add3A_109 = arith.constant 40320 : i32
    %add3A_110 = arith.addi %mul3A_34, %add3A_109 : i32
    %dma_start3A_111 = tpu.memref_slice %arg2[%mul3A_32, %add3A_110] : memref<128x262144xf32, #tpu.memory_space<hbm>> -> memref<8x8064xf32, #tpu.memory_space<hbm>>
    %dma_start3A_112 = tpu.memref_slice %arg2[%mul3A_32, %add3A_110] : memref<128x262144xf32, #tpu.memory_space<hbm>> -> memref<8x8064xf32, #tpu.memory_space<hbm>>
    tpu.enqueue_dma source(%dma_start3A_112 : memref<8x8064xf32, #tpu.memory_space<hbm>>) target(%arg5 : memref<8x8064xf32, #tpu.memory_space<vmem>>) target_semaphore(%arg7 : memref<!tpu.dma_semaphore, #tpu.memory_space<semaphore_mem>>)
    %add3A_113 = arith.constant 40320 : i32
    %add3A_114 = arith.addi %mul3A_34, %add3A_113 : i32
    %dma_wait3A_115 = tpu.memref_slice %arg2[%mul3A_32, %add3A_114] : memref<128x262144xf32, #tpu.memory_space<hbm>> -> memref<8x8064xf32, #tpu.memory_space<hbm>>
    %dma_wait3A_116 = tpu.memref_slice %arg2[%mul3A_32, %add3A_114] : memref<128x262144xf32, #tpu.memory_space<hbm>> -> memref<8x8064xf32, #tpu.memory_space<hbm>>
    tpu.wait_dma2 semaphore(%arg7 : memref<!tpu.dma_semaphore, #tpu.memory_space<semaphore_mem>>) src(%dma_wait3A_116 : memref<8x8064xf32, #tpu.memory_space<hbm>>) dst(%arg5 : memref<8x8064xf32, #tpu.memory_space<vmem>>)
    %add3A_117 = arith.constant 40320 : i32
    %add3A_118 = arith.addi %mul3A_34, %add3A_117 : i32
    %dma_start3A_119 = tpu.memref_slice %arg3[%mul3A_32, %add3A_118] : memref<128x262144xf32, #tpu.memory_space<hbm>> -> memref<8x8064xf32, #tpu.memory_space<hbm>>
    %dma_start3A_120 = tpu.memref_slice %arg3[%mul3A_32, %add3A_118] : memref<128x262144xf32, #tpu.memory_space<hbm>> -> memref<8x8064xf32, #tpu.memory_space<hbm>>
    tpu.enqueue_dma source(%arg5 : memref<8x8064xf32, #tpu.memory_space<vmem>>) target(%dma_start3A_120 : memref<8x8064xf32, #tpu.memory_space<hbm>>) target_semaphore(%arg9 : memref<!tpu.dma_semaphore, #tpu.memory_space<semaphore_mem>>)
    %add3A_121 = arith.constant 32256 : i32
    %add3A_122 = arith.addi %mul3A_34, %add3A_121 : i32
    %dma_wait3A_123 = tpu.memref_slice %arg3[%mul3A_32, %add3A_122] : memref<128x262144xf32, #tpu.memory_space<hbm>> -> memref<8x8064xf32, #tpu.memory_space<hbm>>
    %dma_wait3A_124 = tpu.memref_slice %arg3[%mul3A_32, %add3A_122] : memref<128x262144xf32, #tpu.memory_space<hbm>> -> memref<8x8064xf32, #tpu.memory_space<hbm>>
    tpu.wait_dma2 semaphore(%arg8 : memref<!tpu.dma_semaphore, #tpu.memory_space<semaphore_mem>>) src(%arg4 : memref<8x8064xf32, #tpu.memory_space<vmem>>) dst(%dma_wait3A_124 : memref<8x8064xf32, #tpu.memory_space<hbm>>)
    %add3A_125 = arith.constant 48384 : i32
    %add3A_126 = arith.addi %mul3A_34, %add3A_125 : i32
    %dma_start3A_127 = tpu.memref_slice %arg2[%mul3A_32, %add3A_126] : memref<128x262144xf32, #tpu.memory_space<hbm>> -> memref<8x8064xf32, #tpu.memory_space<hbm>>
    %dma_start3A_128 = tpu.memref_slice %arg2[%mul3A_32, %add3A_126] : memref<128x262144xf32, #tpu.memory_space<hbm>> -> memref<8x8064xf32, #tpu.memory_space<hbm>>
    tpu.enqueue_dma source(%dma_start3A_128 : memref<8x8064xf32, #tpu.memory_space<hbm>>) target(%arg4 : memref<8x8064xf32, #tpu.memory_space<vmem>>) target_semaphore(%arg6 : memref<!tpu.dma_semaphore, #tpu.memory_space<semaphore_mem>>)
    %add3A_129 = arith.constant 48384 : i32
    %add3A_130 = arith.addi %mul3A_34, %add3A_129 : i32
    %dma_wait3A_131 = tpu.memref_slice %arg2[%mul3A_32, %add3A_130] : memref<128x262144xf32, #tpu.memory_space<hbm>> -> memref<8x8064xf32, #tpu.memory_space<hbm>>
    %dma_wait3A_132 = tpu.memref_slice %arg2[%mul3A_32, %add3A_130] : memref<128x262144xf32, #tpu.memory_space<hbm>> -> memref<8x8064xf32, #tpu.memory_space<hbm>>
    tpu.wait_dma2 semaphore(%arg6 : memref<!tpu.dma_semaphore, #tpu.memory_space<semaphore_mem>>) src(%dma_wait3A_132 : memref<8x8064xf32, #tpu.memory_space<hbm>>) dst(%arg4 : memref<8x8064xf32, #tpu.memory_space<vmem>>)
    %add3A_133 = arith.constant 48384 : i32
    %add3A_134 = arith.addi %mul3A_34, %add3A_133 : i32
    %dma_start3A_135 = tpu.memref_slice %arg3[%mul3A_32, %add3A_134] : memref<128x262144xf32, #tpu.memory_space<hbm>> -> memref<8x8064xf32, #tpu.memory_space<hbm>>
    %dma_start3A_136 = tpu.memref_slice %arg3[%mul3A_32, %add3A_134] : memref<128x262144xf32, #tpu.memory_space<hbm>> -> memref<8x8064xf32, #tpu.memory_space<hbm>>
    tpu.enqueue_dma source(%arg4 : memref<8x8064xf32, #tpu.memory_space<vmem>>) target(%dma_start3A_136 : memref<8x8064xf32, #tpu.memory_space<hbm>>) target_semaphore(%arg8 : memref<!tpu.dma_semaphore, #tpu.memory_space<semaphore_mem>>)
    %add3A_137 = arith.constant 40320 : i32
    %add3A_138 = arith.addi %mul3A_34, %add3A_137 : i32
    %dma_wait3A_139 = tpu.memref_slice %arg3[%mul3A_32, %add3A_138] : memref<128x262144xf32, #tpu.memory_space<hbm>> -> memref<8x8064xf32, #tpu.memory_space<hbm>>
    %dma_wait3A_140 = tpu.memref_slice %arg3[%mul3A_32, %add3A_138] : memref<128x262144xf32, #tpu.memory_space<hbm>> -> memref<8x8064xf32, #tpu.memory_space<hbm>>
    tpu.wait_dma2 semaphore(%arg9 : memref<!tpu.dma_semaphore, #tpu.memory_space<semaphore_mem>>) src(%arg5 : memref<8x8064xf32, #tpu.memory_space<vmem>>) dst(%dma_wait3A_140 : memref<8x8064xf32, #tpu.memory_space<hbm>>)
    %add3A_141 = arith.constant 56448 : i32
    %add3A_142 = arith.addi %mul3A_34, %add3A_141 : i32
    %dma_start3A_143 = tpu.memref_slice %arg2[%mul3A_32, %add3A_142] : memref<128x262144xf32, #tpu.memory_space<hbm>> -> memref<8x8064xf32, #tpu.memory_space<hbm>>
    %dma_start3A_144 = tpu.memref_slice %arg2[%mul3A_32, %add3A_142] : memref<128x262144xf32, #tpu.memory_space<hbm>> -> memref<8x8064xf32, #tpu.memory_space<hbm>>
    tpu.enqueue_dma source(%dma_start3A_144 : memref<8x8064xf32, #tpu.memory_space<hbm>>) target(%arg5 : memref<8x8064xf32, #tpu.memory_space<vmem>>) target_semaphore(%arg7 : memref<!tpu.dma_semaphore, #tpu.memory_space<semaphore_mem>>)
    %add3A_145 = arith.constant 56448 : i32
    %add3A_146 = arith.addi %mul3A_34, %add3A_145 : i32
    %dma_wait3A_147 = tpu.memref_slice %arg2[%mul3A_32, %add3A_146] : memref<128x262144xf32, #tpu.memory_space<hbm>> -> memref<8x8064xf32, #tpu.memory_space<hbm>>
    %dma_wait3A_148 = tpu.memref_slice %arg2[%mul3A_32, %add3A_146] : memref<128x262144xf32, #tpu.memory_space<hbm>> -> memref<8x8064xf32, #tpu.memory_space<hbm>>
    tpu.wait_dma2 semaphore(%arg7 : memref<!tpu.dma_semaphore, #tpu.memory_space<semaphore_mem>>) src(%dma_wait3A_148 : memref<8x8064xf32, #tpu.memory_space<hbm>>) dst(%arg5 : memref<8x8064xf32, #tpu.memory_space<vmem>>)
    %add3A_149 = arith.constant 56448 : i32
    %add3A_150 = arith.addi %mul3A_34, %add3A_149 : i32
    %dma_start3A_151 = tpu.memref_slice %arg3[%mul3A_32, %add3A_150] : memref<128x262144xf32, #tpu.memory_space<hbm>> -> memref<8x8064xf32, #tpu.memory_space<hbm>>
    %dma_start3A_152 = tpu.memref_slice %arg3[%mul3A_32, %add3A_150] : memref<128x262144xf32, #tpu.memory_space<hbm>> -> memref<8x8064xf32, #tpu.memory_space<hbm>>
    tpu.enqueue_dma source(%arg5 : memref<8x8064xf32, #tpu.memory_space<vmem>>) target(%dma_start3A_152 : memref<8x8064xf32, #tpu.memory_space<hbm>>) target_semaphore(%arg9 : memref<!tpu.dma_semaphore, #tpu.memory_space<semaphore_mem>>)
    %add3A_153 = arith.constant 48384 : i32
    %add3A_154 = arith.addi %mul3A_34, %add3A_153 : i32
    %dma_wait3A_155 = tpu.memref_slice %arg3[%mul3A_32, %add3A_154] : memref<128x262144xf32, #tpu.memory_space<hbm>> -> memref<8x8064xf32, #tpu.memory_space<hbm>>
    %dma_wait3A_156 = tpu.memref_slice %arg3[%mul3A_32, %add3A_154] : memref<128x262144xf32, #tpu.memory_space<hbm>> -> memref<8x8064xf32, #tpu.memory_space<hbm>>
    tpu.wait_dma2 semaphore(%arg8 : memref<!tpu.dma_semaphore, #tpu.memory_space<semaphore_mem>>) src(%arg4 : memref<8x8064xf32, #tpu.memory_space<vmem>>) dst(%dma_wait3A_156 : memref<8x8064xf32, #tpu.memory_space<hbm>>)
    %add3A_157 = arith.constant 64512 : i32
    %add3A_158 = arith.addi %mul3A_34, %add3A_157 : i32
    %dma_start3A_159 = tpu.memref_slice %arg2[%mul3A_32, %add3A_158] : memref<128x262144xf32, #tpu.memory_space<hbm>> -> memref<8x8064xf32, #tpu.memory_space<hbm>>
    %dma_start3A_160 = tpu.memref_slice %arg2[%mul3A_32, %add3A_158] : memref<128x262144xf32, #tpu.memory_space<hbm>> -> memref<8x8064xf32, #tpu.memory_space<hbm>>
    tpu.enqueue_dma source(%dma_start3A_160 : memref<8x8064xf32, #tpu.memory_space<hbm>>) target(%arg4 : memref<8x8064xf32, #tpu.memory_space<vmem>>) target_semaphore(%arg6 : memref<!tpu.dma_semaphore, #tpu.memory_space<semaphore_mem>>)
    %add3A_161 = arith.constant 64512 : i32
    %add3A_162 = arith.addi %mul3A_34, %add3A_161 : i32
    %dma_wait3A_163 = tpu.memref_slice %arg2[%mul3A_32, %add3A_162] : memref<128x262144xf32, #tpu.memory_space<hbm>> -> memref<8x8064xf32, #tpu.memory_space<hbm>>
    %dma_wait3A_164 = tpu.memref_slice %arg2[%mul3A_32, %add3A_162] : memref<128x262144xf32, #tpu.memory_space<hbm>> -> memref<8x8064xf32, #tpu.memory_space<hbm>>
    tpu.wait_dma2 semaphore(%arg6 : memref<!tpu.dma_semaphore, #tpu.memory_space<semaphore_mem>>) src(%dma_wait3A_164 : memref<8x8064xf32, #tpu.memory_space<hbm>>) dst(%arg4 : memref<8x8064xf32, #tpu.memory_space<vmem>>)
    %add3A_165 = arith.constant 64512 : i32
    %add3A_166 = arith.addi %mul3A_34, %add3A_165 : i32
    %dma_start3A_167 = tpu.memref_slice %arg3[%mul3A_32, %add3A_166] : memref<128x262144xf32, #tpu.memory_space<hbm>> -> memref<8x8064xf32, #tpu.memory_space<hbm>>
    %dma_start3A_168 = tpu.memref_slice %arg3[%mul3A_32, %add3A_166] : memref<128x262144xf32, #tpu.memory_space<hbm>> -> memref<8x8064xf32, #tpu.memory_space<hbm>>
    tpu.enqueue_dma source(%arg4 : memref<8x8064xf32, #tpu.memory_space<vmem>>) target(%dma_start3A_168 : memref<8x8064xf32, #tpu.memory_space<hbm>>) target_semaphore(%arg8 : memref<!tpu.dma_semaphore, #tpu.memory_space<semaphore_mem>>)
    %add3A_169 = arith.constant 56448 : i32
    %add3A_170 = arith.addi %mul3A_34, %add3A_169 : i32
    %dma_wait3A_171 = tpu.memref_slice %arg3[%mul3A_32, %add3A_170] : memref<128x262144xf32, #tpu.memory_space<hbm>> -> memref<8x8064xf32, #tpu.memory_space<hbm>>
    %dma_wait3A_172 = tpu.memref_slice %arg3[%mul3A_32, %add3A_170] : memref<128x262144xf32, #tpu.memory_space<hbm>> -> memref<8x8064xf32, #tpu.memory_space<hbm>>
    tpu.wait_dma2 semaphore(%arg9 : memref<!tpu.dma_semaphore, #tpu.memory_space<semaphore_mem>>) src(%arg5 : memref<8x8064xf32, #tpu.memory_space<vmem>>) dst(%dma_wait3A_172 : memref<8x8064xf32, #tpu.memory_space<hbm>>)
    %add3A_173 = arith.constant 72576 : i32
    %add3A_174 = arith.addi %mul3A_34, %add3A_173 : i32
    %dma_start3A_175 = tpu.memref_slice %arg2[%mul3A_32, %add3A_174] : memref<128x262144xf32, #tpu.memory_space<hbm>> -> memref<8x8064xf32, #tpu.memory_space<hbm>>
    %dma_start3A_176 = tpu.memref_slice %arg2[%mul3A_32, %add3A_174] : memref<128x262144xf32, #tpu.memory_space<hbm>> -> memref<8x8064xf32, #tpu.memory_space<hbm>>
    tpu.enqueue_dma source(%dma_start3A_176 : memref<8x8064xf32, #tpu.memory_space<hbm>>) target(%arg5 : memref<8x8064xf32, #tpu.memory_space<vmem>>) target_semaphore(%arg7 : memref<!tpu.dma_semaphore, #tpu.memory_space<semaphore_mem>>)
    %add3A_177 = arith.constant 72576 : i32
    %add3A_178 = arith.addi %mul3A_34, %add3A_177 : i32
    %dma_wait3A_179 = tpu.memref_slice %arg2[%mul3A_32, %add3A_178] : memref<128x262144xf32, #tpu.memory_space<hbm>> -> memref<8x8064xf32, #tpu.memory_space<hbm>>
    %dma_wait3A_180 = tpu.memref_slice %arg2[%mul3A_32, %add3A_178] : memref<128x262144xf32, #tpu.memory_space<hbm>> -> memref<8x8064xf32, #tpu.memory_space<hbm>>
    tpu.wait_dma2 semaphore(%arg7 : memref<!tpu.dma_semaphore, #tpu.memory_space<semaphore_mem>>) src(%dma_wait3A_180 : memref<8x8064xf32, #tpu.memory_space<hbm>>) dst(%arg5 : memref<8x8064xf32, #tpu.memory_space<vmem>>)
    %add3A_181 = arith.constant 72576 : i32
    %add3A_182 = arith.addi %mul3A_34, %add3A_181 : i32
    %dma_start3A_183 = tpu.memref_slice %arg3[%mul3A_32, %add3A_182] : memref<128x262144xf32, #tpu.memory_space<hbm>> -> memref<8x8064xf32, #tpu.memory_space<hbm>>
    %dma_start3A_184 = tpu.memref_slice %arg3[%mul3A_32, %add3A_182] : memref<128x262144xf32, #tpu.memory_space<hbm>> -> memref<8x8064xf32, #tpu.memory_space<hbm>>
    tpu.enqueue_dma source(%arg5 : memref<8x8064xf32, #tpu.memory_space<vmem>>) target(%dma_start3A_184 : memref<8x8064xf32, #tpu.memory_space<hbm>>) target_semaphore(%arg9 : memref<!tpu.dma_semaphore, #tpu.memory_space<semaphore_mem>>)
    %add3A_185 = arith.constant 64512 : i32
    %add3A_186 = arith.addi %mul3A_34, %add3A_185 : i32
    %dma_wait3A_187 = tpu.memref_slice %arg3[%mul3A_32, %add3A_186] : memref<128x262144xf32, #tpu.memory_space<hbm>> -> memref<8x8064xf32, #tpu.memory_space<hbm>>
    %dma_wait3A_188 = tpu.memref_slice %arg3[%mul3A_32, %add3A_186] : memref<128x262144xf32, #tpu.memory_space<hbm>> -> memref<8x8064xf32, #tpu.memory_space<hbm>>
    tpu.wait_dma2 semaphore(%arg8 : memref<!tpu.dma_semaphore, #tpu.memory_space<semaphore_mem>>) src(%arg4 : memref<8x8064xf32, #tpu.memory_space<vmem>>) dst(%dma_wait3A_188 : memref<8x8064xf32, #tpu.memory_space<hbm>>)
    %add3A_189 = arith.constant 80640 : i32
    %add3A_190 = arith.addi %mul3A_34, %add3A_189 : i32
    %dma_start3A_191 = tpu.memref_slice %arg2[%mul3A_32, %add3A_190] : memref<128x262144xf32, #tpu.memory_space<hbm>> -> memref<8x8064xf32, #tpu.memory_space<hbm>>
    %dma_start3A_192 = tpu.memref_slice %arg2[%mul3A_32, %add3A_190] : memref<128x262144xf32, #tpu.memory_space<hbm>> -> memref<8x8064xf32, #tpu.memory_space<hbm>>
    tpu.enqueue_dma source(%dma_start3A_192 : memref<8x8064xf32, #tpu.memory_space<hbm>>) target(%arg4 : memref<8x8064xf32, #tpu.memory_space<vmem>>) target_semaphore(%arg6 : memref<!tpu.dma_semaphore, #tpu.memory_space<semaphore_mem>>)
    %add3A_193 = arith.constant 80640 : i32
    %add3A_194 = arith.addi %mul3A_34, %add3A_193 : i32
    %dma_wait3A_195 = tpu.memref_slice %arg2[%mul3A_32, %add3A_194] : memref<128x262144xf32, #tpu.memory_space<hbm>> -> memref<8x8064xf32, #tpu.memory_space<hbm>>
    %dma_wait3A_196 = tpu.memref_slice %arg2[%mul3A_32, %add3A_194] : memref<128x262144xf32, #tpu.memory_space<hbm>> -> memref<8x8064xf32, #tpu.memory_space<hbm>>
    tpu.wait_dma2 semaphore(%arg6 : memref<!tpu.dma_semaphore, #tpu.memory_space<semaphore_mem>>) src(%dma_wait3A_196 : memref<8x8064xf32, #tpu.memory_space<hbm>>) dst(%arg4 : memref<8x8064xf32, #tpu.memory_space<vmem>>)
    %add3A_197 = arith.constant 80640 : i32
    %add3A_198 = arith.addi %mul3A_34, %add3A_197 : i32
    %dma_start3A_199 = tpu.memref_slice %arg3[%mul3A_32, %add3A_198] : memref<128x262144xf32, #tpu.memory_space<hbm>> -> memref<8x8064xf32, #tpu.memory_space<hbm>>
    %dma_start3A_200 = tpu.memref_slice %arg3[%mul3A_32, %add3A_198] : memref<128x262144xf32, #tpu.memory_space<hbm>> -> memref<8x8064xf32, #tpu.memory_space<hbm>>
    tpu.enqueue_dma source(%arg4 : memref<8x8064xf32, #tpu.memory_space<vmem>>) target(%dma_start3A_200 : memref<8x8064xf32, #tpu.memory_space<hbm>>) target_semaphore(%arg8 : memref<!tpu.dma_semaphore, #tpu.memory_space<semaphore_mem>>)
    %add3A_201 = arith.constant 72576 : i32
    %add3A_202 = arith.addi %mul3A_34, %add3A_201 : i32
    %dma_wait3A_203 = tpu.memref_slice %arg3[%mul3A_32, %add3A_202] : memref<128x262144xf32, #tpu.memory_space<hbm>> -> memref<8x8064xf32, #tpu.memory_space<hbm>>
    %dma_wait3A_204 = tpu.memref_slice %arg3[%mul3A_32, %add3A_202] : memref<128x262144xf32, #tpu.memory_space<hbm>> -> memref<8x8064xf32, #tpu.memory_space<hbm>>
    tpu.wait_dma2 semaphore(%arg9 : memref<!tpu.dma_semaphore, #tpu.memory_space<semaphore_mem>>) src(%arg5 : memref<8x8064xf32, #tpu.memory_space<vmem>>) dst(%dma_wait3A_204 : memref<8x8064xf32, #tpu.memory_space<hbm>>)
    %add3A_205 = arith.constant 88704 : i32
    %add3A_206 = arith.addi %mul3A_34, %add3A_205 : i32
    %dma_start3A_207 = tpu.memref_slice %arg2[%mul3A_32, %add3A_206] : memref<128x262144xf32, #tpu.memory_space<hbm>> -> memref<8x8064xf32, #tpu.memory_space<hbm>>
    %dma_start3A_208 = tpu.memref_slice %arg2[%mul3A_32, %add3A_206] : memref<128x262144xf32, #tpu.memory_space<hbm>> -> memref<8x8064xf32, #tpu.memory_space<hbm>>
    tpu.enqueue_dma source(%dma_start3A_208 : memref<8x8064xf32, #tpu.memory_space<hbm>>) target(%arg5 : memref<8x8064xf32, #tpu.memory_space<vmem>>) target_semaphore(%arg7 : memref<!tpu.dma_semaphore, #tpu.memory_space<semaphore_mem>>)
    %add3A_209 = arith.constant 88704 : i32
    %add3A_210 = arith.addi %mul3A_34, %add3A_209 : i32
    %dma_wait3A_211 = tpu.memref_slice %arg2[%mul3A_32, %add3A_210] : memref<128x262144xf32, #tpu.memory_space<hbm>> -> memref<8x8064xf32, #tpu.memory_space<hbm>>
    %dma_wait3A_212 = tpu.memref_slice %arg2[%mul3A_32, %add3A_210] : memref<128x262144xf32, #tpu.memory_space<hbm>> -> memref<8x8064xf32, #tpu.memory_space<hbm>>
    tpu.wait_dma2 semaphore(%arg7 : memref<!tpu.dma_semaphore, #tpu.memory_space<semaphore_mem>>) src(%dma_wait3A_212 : memref<8x8064xf32, #tpu.memory_space<hbm>>) dst(%arg5 : memref<8x8064xf32, #tpu.memory_space<vmem>>)
    %add3A_213 = arith.constant 88704 : i32
    %add3A_214 = arith.addi %mul3A_34, %add3A_213 : i32
    %dma_start3A_215 = tpu.memref_slice %arg3[%mul3A_32, %add3A_214] : memref<128x262144xf32, #tpu.memory_space<hbm>> -> memref<8x8064xf32, #tpu.memory_space<hbm>>
    %dma_start3A_216 = tpu.memref_slice %arg3[%mul3A_32, %add3A_214] : memref<128x262144xf32, #tpu.memory_space<hbm>> -> memref<8x8064xf32, #tpu.memory_space<hbm>>
    tpu.enqueue_dma source(%arg5 : memref<8x8064xf32, #tpu.memory_space<vmem>>) target(%dma_start3A_216 : memref<8x8064xf32, #tpu.memory_space<hbm>>) target_semaphore(%arg9 : memref<!tpu.dma_semaphore, #tpu.memory_space<semaphore_mem>>)
    %add3A_217 = arith.constant 80640 : i32
    %add3A_218 = arith.addi %mul3A_34, %add3A_217 : i32
    %dma_wait3A_219 = tpu.memref_slice %arg3[%mul3A_32, %add3A_218] : memref<128x262144xf32, #tpu.memory_space<hbm>> -> memref<8x8064xf32, #tpu.memory_space<hbm>>
    %dma_wait3A_220 = tpu.memref_slice %arg3[%mul3A_32, %add3A_218] : memref<128x262144xf32, #tpu.memory_space<hbm>> -> memref<8x8064xf32, #tpu.memory_space<hbm>>
    tpu.wait_dma2 semaphore(%arg8 : memref<!tpu.dma_semaphore, #tpu.memory_space<semaphore_mem>>) src(%arg4 : memref<8x8064xf32, #tpu.memory_space<vmem>>) dst(%dma_wait3A_220 : memref<8x8064xf32, #tpu.memory_space<hbm>>)
    %add3A_221 = arith.constant 96768 : i32
    %add3A_222 = arith.addi %mul3A_34, %add3A_221 : i32
    %dma_start3A_223 = tpu.memref_slice %arg2[%mul3A_32, %add3A_222] : memref<128x262144xf32, #tpu.memory_space<hbm>> -> memref<8x8064xf32, #tpu.memory_space<hbm>>
    %dma_start3A_224 = tpu.memref_slice %arg2[%mul3A_32, %add3A_222] : memref<128x262144xf32, #tpu.memory_space<hbm>> -> memref<8x8064xf32, #tpu.memory_space<hbm>>
    tpu.enqueue_dma source(%dma_start3A_224 : memref<8x8064xf32, #tpu.memory_space<hbm>>) target(%arg4 : memref<8x8064xf32, #tpu.memory_space<vmem>>) target_semaphore(%arg6 : memref<!tpu.dma_semaphore, #tpu.memory_space<semaphore_mem>>)
    %add3A_225 = arith.constant 96768 : i32
    %add3A_226 = arith.addi %mul3A_34, %add3A_225 : i32
    %dma_wait3A_227 = tpu.memref_slice %arg2[%mul3A_32, %add3A_226] : memref<128x262144xf32, #tpu.memory_space<hbm>> -> memref<8x8064xf32, #tpu.memory_space<hbm>>
    %dma_wait3A_228 = tpu.memref_slice %arg2[%mul3A_32, %add3A_226] : memref<128x262144xf32, #tpu.memory_space<hbm>> -> memref<8x8064xf32, #tpu.memory_space<hbm>>
    tpu.wait_dma2 semaphore(%arg6 : memref<!tpu.dma_semaphore, #tpu.memory_space<semaphore_mem>>) src(%dma_wait3A_228 : memref<8x8064xf32, #tpu.memory_space<hbm>>) dst(%arg4 : memref<8x8064xf32, #tpu.memory_space<vmem>>)
    %add3A_229 = arith.constant 96768 : i32
    %add3A_230 = arith.addi %mul3A_34, %add3A_229 : i32
    %dma_start3A_231 = tpu.memref_slice %arg3[%mul3A_32, %add3A_230] : memref<128x262144xf32, #tpu.memory_space<hbm>> -> memref<8x8064xf32, #tpu.memory_space<hbm>>
    %dma_start3A_232 = tpu.memref_slice %arg3[%mul3A_32, %add3A_230] : memref<128x262144xf32, #tpu.memory_space<hbm>> -> memref<8x8064xf32, #tpu.memory_space<hbm>>
    tpu.enqueue_dma source(%arg4 : memref<8x8064xf32, #tpu.memory_space<vmem>>) target(%dma_start3A_232 : memref<8x8064xf32, #tpu.memory_space<hbm>>) target_semaphore(%arg8 : memref<!tpu.dma_semaphore, #tpu.memory_space<semaphore_mem>>)
    %add3A_233 = arith.constant 88704 : i32
    %add3A_234 = arith.addi %mul3A_34, %add3A_233 : i32
    %dma_wait3A_235 = tpu.memref_slice %arg3[%mul3A_32, %add3A_234] : memref<128x262144xf32, #tpu.memory_space<hbm>> -> memref<8x8064xf32, #tpu.memory_space<hbm>>
    %dma_wait3A_236 = tpu.memref_slice %arg3[%mul3A_32, %add3A_234] : memref<128x262144xf32, #tpu.memory_space<hbm>> -> memref<8x8064xf32, #tpu.memory_space<hbm>>
    tpu.wait_dma2 semaphore(%arg9 : memref<!tpu.dma_semaphore, #tpu.memory_space<semaphore_mem>>) src(%arg5 : memref<8x8064xf32, #tpu.memory_space<vmem>>) dst(%dma_wait3A_236 : memref<8x8064xf32, #tpu.memory_space<hbm>>)
    %add3A_237 = arith.constant 104832 : i32
    %add3A_238 = arith.addi %mul3A_34, %add3A_237 : i32
    %dma_start3A_239 = tpu.memref_slice %arg2[%mul3A_32, %add3A_238] : memref<128x262144xf32, #tpu.memory_space<hbm>> -> memref<8x8064xf32, #tpu.memory_space<hbm>>
    %dma_start3A_240 = tpu.memref_slice %arg2[%mul3A_32, %add3A_238] : memref<128x262144xf32, #tpu.memory_space<hbm>> -> memref<8x8064xf32, #tpu.memory_space<hbm>>
    tpu.enqueue_dma source(%dma_start3A_240 : memref<8x8064xf32, #tpu.memory_space<hbm>>) target(%arg5 : memref<8x8064xf32, #tpu.memory_space<vmem>>) target_semaphore(%arg7 : memref<!tpu.dma_semaphore, #tpu.memory_space<semaphore_mem>>)
    %add3A_241 = arith.constant 104832 : i32
    %add3A_242 = arith.addi %mul3A_34, %add3A_241 : i32
    %dma_wait3A_243 = tpu.memref_slice %arg2[%mul3A_32, %add3A_242] : memref<128x262144xf32, #tpu.memory_space<hbm>> -> memref<8x8064xf32, #tpu.memory_space<hbm>>
    %dma_wait3A_244 = tpu.memref_slice %arg2[%mul3A_32, %add3A_242] : memref<128x262144xf32, #tpu.memory_space<hbm>> -> memref<8x8064xf32, #tpu.memory_space<hbm>>
    tpu.wait_dma2 semaphore(%arg7 : memref<!tpu.dma_semaphore, #tpu.memory_space<semaphore_mem>>) src(%dma_wait3A_244 : memref<8x8064xf32, #tpu.memory_space<hbm>>) dst(%arg5 : memref<8x8064xf32, #tpu.memory_space<vmem>>)
    %add3A_245 = arith.constant 104832 : i32
    %add3A_246 = arith.addi %mul3A_34, %add3A_245 : i32
    %dma_start3A_247 = tpu.memref_slice %arg3[%mul3A_32, %add3A_246] : memref<128x262144xf32, #tpu.memory_space<hbm>> -> memref<8x8064xf32, #tpu.memory_space<hbm>>
    %dma_start3A_248 = tpu.memref_slice %arg3[%mul3A_32, %add3A_246] : memref<128x262144xf32, #tpu.memory_space<hbm>> -> memref<8x8064xf32, #tpu.memory_space<hbm>>
    tpu.enqueue_dma source(%arg5 : memref<8x8064xf32, #tpu.memory_space<vmem>>) target(%dma_start3A_248 : memref<8x8064xf32, #tpu.memory_space<hbm>>) target_semaphore(%arg9 : memref<!tpu.dma_semaphore, #tpu.memory_space<semaphore_mem>>)
    %add3A_249 = arith.constant 96768 : i32
    %add3A_250 = arith.addi %mul3A_34, %add3A_249 : i32
    %dma_wait3A_251 = tpu.memref_slice %arg3[%mul3A_32, %add3A_250] : memref<128x262144xf32, #tpu.memory_space<hbm>> -> memref<8x8064xf32, #tpu.memory_space<hbm>>
    %dma_wait3A_252 = tpu.memref_slice %arg3[%mul3A_32, %add3A_250] : memref<128x262144xf32, #tpu.memory_space<hbm>> -> memref<8x8064xf32, #tpu.memory_space<hbm>>
    tpu.wait_dma2 semaphore(%arg8 : memref<!tpu.dma_semaphore, #tpu.memory_space<semaphore_mem>>) src(%arg4 : memref<8x8064xf32, #tpu.memory_space<vmem>>) dst(%dma_wait3A_252 : memref<8x8064xf32, #tpu.memory_space<hbm>>)
    %add3A_253 = arith.constant 112896 : i32
    %add3A_254 = arith.addi %mul3A_34, %add3A_253 : i32
    %dma_start3A_255 = tpu.memref_slice %arg2[%mul3A_32, %add3A_254] : memref<128x262144xf32, #tpu.memory_space<hbm>> -> memref<8x8064xf32, #tpu.memory_space<hbm>>
    %dma_start3A_256 = tpu.memref_slice %arg2[%mul3A_32, %add3A_254] : memref<128x262144xf32, #tpu.memory_space<hbm>> -> memref<8x8064xf32, #tpu.memory_space<hbm>>
    tpu.enqueue_dma source(%dma_start3A_256 : memref<8x8064xf32, #tpu.memory_space<hbm>>) target(%arg4 : memref<8x8064xf32, #tpu.memory_space<vmem>>) target_semaphore(%arg6 : memref<!tpu.dma_semaphore, #tpu.memory_space<semaphore_mem>>)
    %add3A_257 = arith.constant 112896 : i32
    %add3A_258 = arith.addi %mul3A_34, %add3A_257 : i32
    %dma_wait3A_259 = tpu.memref_slice %arg2[%mul3A_32, %add3A_258] : memref<128x262144xf32, #tpu.memory_space<hbm>> -> memref<8x8064xf32, #tpu.memory_space<hbm>>
    %dma_wait3A_260 = tpu.memref_slice %arg2[%mul3A_32, %add3A_258] : memref<128x262144xf32, #tpu.memory_space<hbm>> -> memref<8x8064xf32, #tpu.memory_space<hbm>>
    tpu.wait_dma2 semaphore(%arg6 : memref<!tpu.dma_semaphore, #tpu.memory_space<semaphore_mem>>) src(%dma_wait3A_260 : memref<8x8064xf32, #tpu.memory_space<hbm>>) dst(%arg4 : memref<8x8064xf32, #tpu.memory_space<vmem>>)
    %add3A_261 = arith.constant 112896 : i32
    %add3A_262 = arith.addi %mul3A_34, %add3A_261 : i32
    %dma_start3A_263 = tpu.memref_slice %arg3[%mul3A_32, %add3A_262] : memref<128x262144xf32, #tpu.memory_space<hbm>> -> memref<8x8064xf32, #tpu.memory_space<hbm>>
    %dma_start3A_264 = tpu.memref_slice %arg3[%mul3A_32, %add3A_262] : memref<128x262144xf32, #tpu.memory_space<hbm>> -> memref<8x8064xf32, #tpu.memory_space<hbm>>
    tpu.enqueue_dma source(%arg4 : memref<8x8064xf32, #tpu.memory_space<vmem>>) target(%dma_start3A_264 : memref<8x8064xf32, #tpu.memory_space<hbm>>) target_semaphore(%arg8 : memref<!tpu.dma_semaphore, #tpu.memory_space<semaphore_mem>>)
    %add3A_265 = arith.constant 104832 : i32
    %add3A_266 = arith.addi %mul3A_34, %add3A_265 : i32
    %dma_wait3A_267 = tpu.memref_slice %arg3[%mul3A_32, %add3A_266] : memref<128x262144xf32, #tpu.memory_space<hbm>> -> memref<8x8064xf32, #tpu.memory_space<hbm>>
    %dma_wait3A_268 = tpu.memref_slice %arg3[%mul3A_32, %add3A_266] : memref<128x262144xf32, #tpu.memory_space<hbm>> -> memref<8x8064xf32, #tpu.memory_space<hbm>>
    tpu.wait_dma2 semaphore(%arg9 : memref<!tpu.dma_semaphore, #tpu.memory_space<semaphore_mem>>) src(%arg5 : memref<8x8064xf32, #tpu.memory_space<vmem>>) dst(%dma_wait3A_268 : memref<8x8064xf32, #tpu.memory_space<hbm>>)
    %add3A_269 = arith.constant 120960 : i32
    %add3A_270 = arith.addi %mul3A_34, %add3A_269 : i32
    %dma_start3A_271 = tpu.memref_slice %arg2[%mul3A_32, %add3A_270] : memref<128x262144xf32, #tpu.memory_space<hbm>> -> memref<8x8064xf32, #tpu.memory_space<hbm>>
    %dma_start3A_272 = tpu.memref_slice %arg2[%mul3A_32, %add3A_270] : memref<128x262144xf32, #tpu.memory_space<hbm>> -> memref<8x8064xf32, #tpu.memory_space<hbm>>
    tpu.enqueue_dma source(%dma_start3A_272 : memref<8x8064xf32, #tpu.memory_space<hbm>>) target(%arg5 : memref<8x8064xf32, #tpu.memory_space<vmem>>) target_semaphore(%arg7 : memref<!tpu.dma_semaphore, #tpu.memory_space<semaphore_mem>>)
    %add3A_273 = arith.constant 120960 : i32
    %add3A_274 = arith.addi %mul3A_34, %add3A_273 : i32
    %dma_wait3A_275 = tpu.memref_slice %arg2[%mul3A_32, %add3A_274] : memref<128x262144xf32, #tpu.memory_space<hbm>> -> memref<8x8064xf32, #tpu.memory_space<hbm>>
    %dma_wait3A_276 = tpu.memref_slice %arg2[%mul3A_32, %add3A_274] : memref<128x262144xf32, #tpu.memory_space<hbm>> -> memref<8x8064xf32, #tpu.memory_space<hbm>>
    tpu.wait_dma2 semaphore(%arg7 : memref<!tpu.dma_semaphore, #tpu.memory_space<semaphore_mem>>) src(%dma_wait3A_276 : memref<8x8064xf32, #tpu.memory_space<hbm>>) dst(%arg5 : memref<8x8064xf32, #tpu.memory_space<vmem>>)
    %add3A_277 = arith.constant 120960 : i32
    %add3A_278 = arith.addi %mul3A_34, %add3A_277 : i32
    %dma_start3A_279 = tpu.memref_slice %arg3[%mul3A_32, %add3A_278] : memref<128x262144xf32, #tpu.memory_space<hbm>> -> memref<8x8064xf32, #tpu.memory_space<hbm>>
    %dma_start3A_280 = tpu.memref_slice %arg3[%mul3A_32, %add3A_278] : memref<128x262144xf32, #tpu.memory_space<hbm>> -> memref<8x8064xf32, #tpu.memory_space<hbm>>
    tpu.enqueue_dma source(%arg5 : memref<8x8064xf32, #tpu.memory_space<vmem>>) target(%dma_start3A_280 : memref<8x8064xf32, #tpu.memory_space<hbm>>) target_semaphore(%arg9 : memref<!tpu.dma_semaphore, #tpu.memory_space<semaphore_mem>>)
    %add3A_281 = arith.constant 112896 : i32
    %add3A_282 = arith.addi %mul3A_34, %add3A_281 : i32
    %dma_wait3A_283 = tpu.memref_slice %arg3[%mul3A_32, %add3A_282] : memref<128x262144xf32, #tpu.memory_space<hbm>> -> memref<8x8064xf32, #tpu.memory_space<hbm>>
    %dma_wait3A_284 = tpu.memref_slice %arg3[%mul3A_32, %add3A_282] : memref<128x262144xf32, #tpu.memory_space<hbm>> -> memref<8x8064xf32, #tpu.memory_space<hbm>>
    tpu.wait_dma2 semaphore(%arg8 : memref<!tpu.dma_semaphore, #tpu.memory_space<semaphore_mem>>) src(%arg4 : memref<8x8064xf32, #tpu.memory_space<vmem>>) dst(%dma_wait3A_284 : memref<8x8064xf32, #tpu.memory_space<hbm>>)
    %add3A_285 = arith.constant 129024 : i32
    %add3A_286 = arith.addi %mul3A_34, %add3A_285 : i32
    %dma_start3A_287 = arith.constant 0 : i32
    %dma_start3A_288 = arith.constant 0 : i32
    %dma_start3A_289 = tpu.memref_slice %arg4[%dma_start3A_287, %dma_start3A_288] : memref<8x8064xf32, #tpu.memory_space<vmem>> -> memref<8x2048xf32, #tpu.memory_space<vmem>>
    %dma_start3A_290 = tpu.memref_slice %arg2[%mul3A_32, %add3A_286] : memref<128x262144xf32, #tpu.memory_space<hbm>> -> memref<8x2048xf32, #tpu.memory_space<hbm>>
    %dma_start3A_291 = arith.constant 0 : i32
    %dma_start3A_292 = arith.constant 0 : i32
    %dma_start3A_293 = tpu.memref_slice %arg4[%dma_start3A_291, %dma_start3A_292] : memref<8x8064xf32, #tpu.memory_space<vmem>> -> memref<8x2048xf32, #tpu.memory_space<vmem>>
    %dma_start3A_294 = tpu.memref_slice %arg2[%mul3A_32, %add3A_286] : memref<128x262144xf32, #tpu.memory_space<hbm>> -> memref<8x2048xf32, #tpu.memory_space<hbm>>
    tpu.enqueue_dma source(%dma_start3A_294 : memref<8x2048xf32, #tpu.memory_space<hbm>>) target(%dma_start3A_293 : memref<8x2048xf32, #tpu.memory_space<vmem>>) target_semaphore(%arg6 : memref<!tpu.dma_semaphore, #tpu.memory_space<semaphore_mem>>)
    %add3A_295 = arith.constant 129024 : i32
    %add3A_296 = arith.addi %mul3A_34, %add3A_295 : i32
    %dma_wait3A_297 = arith.constant 0 : i32
    %dma_wait3A_298 = arith.constant 0 : i32
    %dma_wait3A_299 = tpu.memref_slice %arg4[%dma_wait3A_297, %dma_wait3A_298] : memref<8x8064xf32, #tpu.memory_space<vmem>> -> memref<8x2048xf32, #tpu.memory_space<vmem>>
    %dma_wait3A_300 = tpu.memref_slice %arg2[%mul3A_32, %add3A_296] : memref<128x262144xf32, #tpu.memory_space<hbm>> -> memref<8x2048xf32, #tpu.memory_space<hbm>>
    %dma_wait3A_301 = arith.constant 0 : i32
    %dma_wait3A_302 = arith.constant 0 : i32
    %dma_wait3A_303 = tpu.memref_slice %arg4[%dma_wait3A_301, %dma_wait3A_302] : memref<8x8064xf32, #tpu.memory_space<vmem>> -> memref<8x2048xf32, #tpu.memory_space<vmem>>
    %dma_wait3A_304 = tpu.memref_slice %arg2[%mul3A_32, %add3A_296] : memref<128x262144xf32, #tpu.memory_space<hbm>> -> memref<8x2048xf32, #tpu.memory_space<hbm>>
    tpu.wait_dma2 semaphore(%arg6 : memref<!tpu.dma_semaphore, #tpu.memory_space<semaphore_mem>>) src(%dma_wait3A_304 : memref<8x2048xf32, #tpu.memory_space<hbm>>) dst(%dma_wait3A_303 : memref<8x2048xf32, #tpu.memory_space<vmem>>)
    %add3A_305 = arith.constant 129024 : i32
    %add3A_306 = arith.addi %mul3A_34, %add3A_305 : i32
    %dma_start3A_307 = arith.constant 0 : i32
    %dma_start3A_308 = arith.constant 0 : i32
    %dma_start3A_309 = tpu.memref_slice %arg4[%dma_start3A_307, %dma_start3A_308] : memref<8x8064xf32, #tpu.memory_space<vmem>> -> memref<8x2048xf32, #tpu.memory_space<vmem>>
    %dma_start3A_310 = tpu.memref_slice %arg3[%mul3A_32, %add3A_306] : memref<128x262144xf32, #tpu.memory_space<hbm>> -> memref<8x2048xf32, #tpu.memory_space<hbm>>
    %dma_start3A_311 = tpu.memref_slice %arg3[%mul3A_32, %add3A_306] : memref<128x262144xf32, #tpu.memory_space<hbm>> -> memref<8x2048xf32, #tpu.memory_space<hbm>>
    %dma_start3A_312 = arith.constant 0 : i32
    %dma_start3A_313 = arith.constant 0 : i32
    %dma_start3A_314 = tpu.memref_slice %arg4[%dma_start3A_312, %dma_start3A_313] : memref<8x8064xf32, #tpu.memory_space<vmem>> -> memref<8x2048xf32, #tpu.memory_space<vmem>>
    tpu.enqueue_dma source(%dma_start3A_314 : memref<8x2048xf32, #tpu.memory_space<vmem>>) target(%dma_start3A_311 : memref<8x2048xf32, #tpu.memory_space<hbm>>) target_semaphore(%arg8 : memref<!tpu.dma_semaphore, #tpu.memory_space<semaphore_mem>>)
    %add3A_315 = arith.constant 120960 : i32
    %add3A_316 = arith.addi %mul3A_34, %add3A_315 : i32
    %dma_wait3A_317 = tpu.memref_slice %arg3[%mul3A_32, %add3A_316] : memref<128x262144xf32, #tpu.memory_space<hbm>> -> memref<8x8064xf32, #tpu.memory_space<hbm>>
    %dma_wait3A_318 = tpu.memref_slice %arg3[%mul3A_32, %add3A_316] : memref<128x262144xf32, #tpu.memory_space<hbm>> -> memref<8x8064xf32, #tpu.memory_space<hbm>>
    tpu.wait_dma2 semaphore(%arg9 : memref<!tpu.dma_semaphore, #tpu.memory_space<semaphore_mem>>) src(%arg5 : memref<8x8064xf32, #tpu.memory_space<vmem>>) dst(%dma_wait3A_318 : memref<8x8064xf32, #tpu.memory_space<hbm>>)
    %add3A_319 = arith.constant 129024 : i32
    %add3A_320 = arith.addi %mul3A_34, %add3A_319 : i32
    %dma_wait3A_321 = arith.constant 0 : i32
    %dma_wait3A_322 = arith.constant 0 : i32
    %dma_wait3A_323 = tpu.memref_slice %arg4[%dma_wait3A_321, %dma_wait3A_322] : memref<8x8064xf32, #tpu.memory_space<vmem>> -> memref<8x2048xf32, #tpu.memory_space<vmem>>
    %dma_wait3A_324 = tpu.memref_slice %arg3[%mul3A_32, %add3A_320] : memref<128x262144xf32, #tpu.memory_space<hbm>> -> memref<8x2048xf32, #tpu.memory_space<hbm>>
    %dma_wait3A_325 = tpu.memref_slice %arg3[%mul3A_32, %add3A_320] : memref<128x262144xf32, #tpu.memory_space<hbm>> -> memref<8x2048xf32, #tpu.memory_space<hbm>>
    %dma_wait3A_326 = arith.constant 0 : i32
    %dma_wait3A_327 = arith.constant 0 : i32
    %dma_wait3A_328 = tpu.memref_slice %arg4[%dma_wait3A_326, %dma_wait3A_327] : memref<8x8064xf32, #tpu.memory_space<vmem>> -> memref<8x2048xf32, #tpu.memory_space<vmem>>
    tpu.wait_dma2 semaphore(%arg8 : memref<!tpu.dma_semaphore, #tpu.memory_space<semaphore_mem>>) src(%dma_wait3A_328 : memref<8x2048xf32, #tpu.memory_space<vmem>>) dst(%dma_wait3A_325 : memref<8x2048xf32, #tpu.memory_space<hbm>>)
    return
  }
}

</mosaic_0001>

<sc_bundles>
// kernel: kernel.3.cloned.1.call-start
scs
__scs_entry_jumppad:
0x0: {  	(pc) =	sbr.rel $0x88, $3  }
0x1: {  	(tag) =	ssettag $0x0;
	lr =	simm.s32 $0x1  }
0x2: {  	[smem:$0x3F9F] =	sst lr;
	_ =	strace $0xD0000000  }
0x3: {  	_ = 	snop  }
0x4: {  	_ = 	snop  }
0x5: {  	_ = 	snop  }
0x6: {  	_ = 	snop  }
0x7: {  	_ = 	snop  }
__scs_overlays_trampoline_lowered:
0x8: {  	[smem:$0x3FAE] =	sst s0  }
0x9: {  	[smem:$0x3FAF] =	sst s1  }
0xa: {  	[smem:$0x3FB0] =	sst s2  }
0xb: {  	[smem:$0x3FB1] =	sst s3  }
0xc: {  	[smem:$0x3FB2] =	sst s4  }
0xd: {  	[smem:$0x3FB3] =	sst s5  }
0xe: {  	[smem:$0x3FB4] =	sst s6  }
0xf: {  	[smem:$0x3FB5] =	sst s7  }
0x10: {  	[smem:$0x3FB6] =	sst s8  }
0x11: {  	[smem:$0x3FB7] =	sst s9;
	s0 =	simm.s32 @!p0 $0x0  }
0x12: {  	s1 =	sld [smem:$0x3F9D];
	s0 =	simm.s32 @p0 $0x1  }
0x13: {  	[smem:$0x3FB8] =	sst s0;
	s0 =	simm.s32 @!p1 $0x0  }
0x14: {  	s2 =	sld [smem:$0x3F9C];
	s0 =	simm.s32 @p1 $0x1  }
0x15: {  	[smem:$0x3FB9] =	sst s0;
	s0 =	simm.s32 @!p2 $0x0  }
0x16: {  	s3 =	sld [smem:$0x3FDB];
	s0 =	simm.s32 @p2 $0x1  }
0x17: {  	s4 =	simm.s32 $0x1BF5;
	[smem:$0x3FBB] =	sst s0  }
0x18: {  	s0 =	sld [smem:$0x3F9E];
	_ =	swait.ge [sflag:s4], $0x0  }
0x19: {  	s7 =	sld [smem:$0x3F9F]  }
0x1a: {  	s8 =	sadd.s32 $0xFFFFE003, lr  }
0x1b: {  	s9 =	sadd.s32 $0xFFFFFEF7, lr;
	s5 =	simm.s32 $0xFFFFFFFF;
	p2 =	slt.u32 s8, $0xFFFFF086  }
0x1c: {  	p1 =	slt.u32 s9, $0xF7A;
	s5 =	simm.s32 @!p2 $0x0  }
0x1d: {  	s5 =	simm.s32 @p1 $0x1;
	p0 =	seq.s32 s7, s2  }
0x1e: {  	s7 =	smul.u32 @!p0 $0xF7A, s2;
	p2 =	seq.s32 @!p0 s5, $0x0  }
0x1f: {  	s9 =	smul.u32 $0xF7A, s1;
	s8 =	simm.s32 @!p0 $0x1BF5;
	p2 =	por !p2, p0  }
0x20: {  	[sflag:s8] =	ssyncset.s32 @!p0 $0xFFFFF086;
	s6 =	sadd.s32 @!p0 s3, s7;
	s7 =	simm.s32 @!p0 $0x108  }
0x21: {  	s3 =	sadd.s32 s3, s9;
	s6 =	sadd.s32 @!p0 $0x88, s6;
	s7 =	simm.s32 @p2 $0x1082  }
0x22: {  	[simem:s7], [sflag:s8] =	dma.local @!p0 [hbm:s6], $0xF7A  }
0x23: {  	s9 =	sor.u32 $0xD0000000, s2;
	s6 =	simm.s32 $0x108;
	_ =	swait.ge @!p0 [sflag:s8], $0x0  }
0x24: {  	s3 =	sadd.s32 $0x88, s3;
	s6 =	simm.s32 @!p1 $0x1082;
	[sflag:s4] =	ssyncset.s32 $0xFFFFF086  }
0x25: {  	[simem:s6], [sflag:s4] =	dma.local [hbm:s3], $0xF7A  }
0x26: {  	[smem:$0x3F9F] =	sst s1;
	(tag) =	ssettag s2;
	_ =	strace s9  }
0x27: {  	s1 =	sld [smem:$0x3FAF]  }
0x28: {  	s2 =	sld [smem:$0x3FB0]  }
0x29: {  	s4 =	sld [smem:$0x3FB2]  }
0x2a: {  	p0 =	seq.s32 s5, $0x0;
	s5 =	sld [smem:$0x3FB3]  }
0x2b: {  	s6 =	sld [smem:$0x3FB4]  }
0x2c: {  	s7 =	sld [smem:$0x3FB5]  }
0x2d: {  	s3 =	simm.s32 $0x108;
	s8 =	sld [smem:$0x3FB6]  }
0x2e: {  	s3 =	simm.s32 @!p0 $0x1082;
	s9 =	sld [smem:$0x3FB7]  }
0x2f: {  	lr =	sadd.s32 s0, s3;
	s0 =	sld [smem:$0x3FAE]  }
0x30: {  	s3 =	sld [smem:$0x3FB1]  }
0x31: {  	[smem:$0x3FBA] =	sst s10  }
0x32: {  	s10 =	sld [smem:$0x3FB8];
	_ =	sdelay $0x3  }
0x33: {  	p0 =	seq.s32 s10, $0x1;
	s10 =	sld [smem:$0x3FBA];
	_ =	sdelay $0x3  }
0x34: {  	[smem:$0x3FBA] =	sst s10  }
0x35: {  	s10 =	sld [smem:$0x3FB9];
	_ =	sdelay $0x3  }
0x36: {  	p1 =	seq.s32 s10, $0x1;
	s10 =	sld [smem:$0x3FBA];
	_ =	sdelay $0x3  }
0x37: {  	[smem:$0x3FBA] =	sst s10  }
0x38: {  	s10 =	sld [smem:$0x3FBB]  }
0x39: {  	_ = 	snop;
	(pc) =	sbr.ind lr, $3  }
0x3a: {  	_ = 	snop  }
0x3b: {  	_ = 	snop  }
0x3c: {  	p2 =	seq.s32 s10, $0x1;
	s10 =	sld [smem:$0x3FBA]  }
0x3d: {  	_ =	shalt  }
0x3e: {  	_ =	shalt  }
0x3f: {  	_ =	shalt  }
0x40: {  	_ =	shalt  }
0x41: {  	_ =	shalt  }
0x42: {  	_ =	shalt  }
0x43: {  	_ =	shalt  }
0x44: {  	_ =	shalt  }
0x45: {  	_ =	shalt  }
0x46: {  	_ =	shalt  }
0x47: {  	_ =	shalt  }
0x48: {  	_ =	shalt  }
0x49: {  	_ =	shalt  }
0x4a: {  	_ =	shalt  }
0x4b: {  	_ =	shalt  }
0x4c: {  	_ =	shalt  }
0x4d: {  	_ =	shalt  }
0x4e: {  	_ =	shalt  }
0x4f: {  	_ =	shalt  }
0x50: {  	_ =	shalt  }
0x51: {  	_ =	shalt  }
0x52: {  	_ =	shalt  }
0x53: {  	_ =	shalt  }
0x54: {  	_ =	shalt  }
0x55: {  	_ =	shalt  }
0x56: {  	_ =	shalt  }
0x57: {  	_ =	shalt  }
0x58: {  	_ =	shalt  }
0x59: {  	_ =	shalt  }
0x5a: {  	_ =	shalt  }
0x5b: {  	_ =	shalt  }
0x5c: {  	_ =	shalt  }
0x5d: {  	_ =	shalt  }
0x5e: {  	_ =	shalt  }
0x5f: {  	_ =	shalt  }
0x60: {  	_ =	shalt  }
0x61: {  	_ =	shalt  }
0x62: {  	_ =	shalt  }
0x63: {  	_ =	shalt  }
0x64: {  	_ =	shalt  }
0x65: {  	_ =	shalt  }
0x66: {  	_ =	shalt  }
0x67: {  	_ =	shalt  }
0x68: {  	_ =	shalt  }
0x69: {  	_ =	shalt  }
0x6a: {  	_ =	shalt  }
0x6b: {  	_ =	shalt  }
0x6c: {  	_ =	shalt  }
0x6d: {  	_ =	shalt  }
0x6e: {  	_ =	shalt  }
0x6f: {  	_ =	shalt  }
0x70: {  	_ =	shalt  }
0x71: {  	_ =	shalt  }
0x72: {  	_ =	shalt  }
0x73: {  	_ =	shalt  }
0x74: {  	_ =	shalt  }
0x75: {  	_ =	shalt  }
0x76: {  	_ =	shalt  }
0x77: {  	_ =	shalt  }
0x78: {  	_ =	shalt  }
0x79: {  	_ =	shalt  }
0x7a: {  	_ =	shalt  }
0x7b: {  	_ =	shalt  }
0x7c: {  	_ =	shalt  }
0x7d: {  	_ =	shalt  }
0x7e: {  	_ =	shalt  }
0x7f: {  	_ =	shalt  }
0x80: {  	_ =	shalt  }
0x81: {  	_ =	shalt  }
0x82: {  	_ =	shalt  }
0x83: {  	_ =	shalt  }
0x84: {  	_ =	shalt  }
0x85: {  	_ =	shalt  }
0x86: {  	_ =	shalt  }
0x87: {  	_ =	shalt  }
.Lfunc_end0:
.L_simem_size_0:
called_computation_lowered:
.L_overlay_start_0:
0x88: {  	s2 =	sld [smem:$0x3FD9]  }
0x89: {  	s3 =	sld [smem:$0x3FFE];
	_ =	sdelay $0x1  }
0x8a: {  	s1 =	srdreg.scid  }
0x8b: {  	s0 =	sand.u32 $0x1, s1  }
0x8c: {  	s15 =	sshll.u32 s0, $0xA;
	s2 =	sadd.s32 s3, s2  }
0x8d: {  	s2 =	sadd.s32 s2, s15  }
0x8e: {  	[smem:$0x3FC6] =	sst s2  }
0x8f: {  	_ = 	snop  }
0x90: {  	s2 =	sld [smem:$0x3FD0];
	_ =	sdelay $0x2  }
0x91: {  	s4 =	simm.s32 $0xA;
	s5 =	simm.s32 $0x10;
	s16 =	sld [smem:$0x3FC8]  }
0x92: {  	[smem:s5], [sflag:s4] =	dma.local [hbm:s2], $0x1  }
0x93: {  	_ =	swait.eq [sflag:s4], $0x1  }
0x94: {  	[sflag:s4] =	ssyncset.done $0x0  }
0x95: {  	[sflag:s4] =	ssyncadd.s32 $0xFFFFFFFF  }
0x96: {  	s17 =	sld [smem:$0x11];
	(tm) =	ssettm $0x1  }
0x97: {  	s18 =	sld [smem:$0x3FFB];
	_ =	sdelay $0x3  }
0x98: {  	_ =	strace s18  }
0x99: {  	s4 =	sld [smem:$0x3FFC];
	_ =	sdelay $0x3  }
0x9a: {  	_ =	strace s4  }
0x9b: {  	s4 =	sld [smem:$0x3FFD];
	_ =	sdelay $0x3  }
0x9c: {  	_ =	strace s4  }
0x9d: {  	_ =	strace $0x8FFFFFFF  }
0x9e: {  	s19 =	sld [smem:$0x3FDB];
	_ =	sdelay $0x1  }
0x9f: {  	s20 =	simm.s32 $_scs_section_size  }
0xa0: {  	s6 =	simm.s32 $_size__tile_overlayer_lowered;
	s7 =	simm.s32 $_tile_overlayer_lowered  }
0xa1: {  	s23 =	simm.s32 $0x1BFF;
	s22 =	sshll.u32 s7, $0x1;
	s4 =	sadd.s32 s20, s19  }
0xa2: {  	s8 =	simm.s32 $0x0;
	s21 =	sshll.u32 s6, $0x1;
	s6 =	sadd.s32 s22, s4  }
0xa3: {  	[timem:s8], [sflag:s23] =	dma.local [hbm:s6], s21  }
0xa4: {  	_ =	swait.ge [sflag:s23], s21  }
0xa5: {  	s5 =	ssub.s32 $0x0, s21;
	[sflag:s23] =	ssyncset.done $0x0  }
0xa6: {  	[sflag:s23] =	ssyncadd.s32 s5;
	_ =	sdelay $0x1  }
0xa7: {  	s24 =	simm.s32 $0x1B8B  }
0xa8: {  	_ =	swait.ge [sflag:s24], $0x1  }
0xa9: {  	[sflag:s24] =	ssyncset.done $0x0  }
0xaa: {  	s25 =	simm.s32 $0x1B8E;
	[sflag:s24] =	ssyncadd.s32 $0xFFFFFFFF  }
0xab: {  	s26 =	simm.s32 $execute0_lowered;
	[smem:$0x3FD2] =	sst s25  }
0xac: {  	s5 =	sshll.u32 s26, $0x1;
	_ =	strace $0x80000046;
	[dreg:$0x1] =	wrdreg $0xFFFFFFFF  }
0xad: {  	s28 =	simm.s32 $_size_execute0_lowered;
	s4 =	sadd.s32 s4, s5;
	[dreg:$0x0] =	wrdreg $0x0  }
0xae: {  	s5 =	sshll.u32 s28, $0x1;
	[dreg:$0x2] =	wrdreg s4  }
0xaf: {  	[dreg:$0x3] =	wrdreg s5  }
0xb0: {  	[dreg:$0x4] =	wrdreg $0xC0  }
0xb1: {  	_ =	task [dreg:s8], $0x5FFFF  }
0xb2: {  	[dreg:$0x1] =	wrdreg $0xFFFFFFFF  }
0xb3: {  	[dreg:$0x0] =	wrdreg $0x60  }
0xb4: {  	[dreg:$0x2] =	wrdreg s16  }
0xb5: {  	[dreg:$0x3] =	wrdreg s17  }
0xb6: {  	[dreg:$0x4] =	wrdreg $0x9  }
0xb7: {  	_ =	task.clear_ibuf [dreg:s8], $0x5FFFF;
	_ =	strace $0x90000046  }
0xb8: {  	s29 =	simm.s32 $0x9;
	_ =	strace $0x80000048  }
0xb9: {  	_ =	swait.ge [sflag:s29], $0x1  }
0xba: {  	[sflag:s29] =	ssyncadd.s32 $0xFFFFFFFF  }
0xbb: {  	_ =	strace $0x90000048  }
0xbc: {  	_ =	sfence  }
0xbd: {  	s30 =	sld [smem:$0x0];
	_ =	sdelay $0x2  }
0xbe: {  	s31 =	sshll.u32 s1, $0xD;
	s1 =	sshrl.u32 s1, $0x2  }
0xbf: {  	s3 =	sand.u32 $0x4000, s31;
	s1 =	sadd.s32 s1, s30  }
0xc0: {  	s0 =	sor.u32 s3, s0;
	s1 =	sshll.u32 s1, $0x11  }
0xc1: {  	s0 =	sor.u32 s1, s0  }
0xc2: {  	s0 =	sadd.s32 $0x8F2B, s0  }
0xc3: {  	[sflag:s0] =	ssyncadd.remote.s32 $0x1  }
0xc4: {  	_ =	sfence.sel $0xFFFF  }
0xc5: {  	[dreg:$0x0] =	wrdreg $0xFFFFFFFF;
	(pc) =	sbr.abs _section_cstart, $3  }
0xc6: {  	[dreg:$0x1] =	wrdreg $0xFFFFFFFF  }
0xc7: {  	_ =	task.clear_ibuf [dreg:s8], $0x2FFFF;
	_ =	strace $0x9FFFFFFF  }
0xc8: {  	(tm) =	ssettm $0x7FFFFFFF  }
0xc9: {  	_ =	shalt  }
tec
execute0_lowered:
.L_overlay_start_1:
0x0: {  	(tag) =	ssettag $0x1  }
0x1: {  	s0 =	stileid.u32  }
0x2: {  	s1 =	srdreg.scid;
	s2 =	sshll.u32 s0, $0x1  }
0x3: {  	s1 =	sand.u32 $0x1, s1;
	s2 =	sand.u32 $0xE, s2  }
0x4: {  	s26 =	sshll.u32 s0, $0x11;
	s2 =	sor.u32 s1, s2  }
0x5: {  	s3 =	sand.u32 $0x100000, s26;
	s28 =	sshll.u32 s2, $0x15  }
0x6: {  	s30 =	rddreg [dreg:$0x0];
	s2 =	simm.s32 $0x0;
	s3 =	sor.u32 s3, s28  }
0x7: {  	[smem:$0x7FF] =	sst s2;
	s25 =	sshrl.u32 s3, $0x3  }
0x8: {  	s31 =	rddreg [dreg:$0x1];
	_ =	strace $0x80000047;
	s3 =	sadd.s32 s30, s25  }
0x9: {  	s4 =	sor.u32 $0x1F80, s25;
	s5 =	sadd.s32 s31, s25;
	[dreg:$0x3] =	wrdreg s3  }
0xa: {  	s0 =	sadd.s32 s30, s4;
	[dreg:$0x5] =	wrdreg s5  }
0xb: {  	s7 =	sor.u32 $0x3F00, s25;
	s6 =	sadd.s32 s31, s4;
	[dreg:$0x4] =	wrdreg s0  }
0xc: {  	s8 =	sadd.s32 s30, s7;
	[dreg:$0x6] =	wrdreg s6  }
0xd: {  	s10 =	sor.u32 $0x5E80, s25;
	s9 =	sadd.s32 s31, s7;
	[dreg:$0x7] =	wrdreg s8  }
0xe: {  	s11 =	sadd.s32 s30, s10;
	[dreg:$0x8] =	wrdreg s9  }
0xf: {  	s13 =	sor.u32 $0x7E00, s25;
	s12 =	sadd.s32 s31, s10;
	[dreg:$0x9] =	wrdreg s11  }
0x10: {  	s14 =	sadd.s32 s30, s13;
	[dreg:$0xa] =	wrdreg s12  }
0x11: {  	[dreg:$0xb] =	wrdreg s14  }
0x12: {  	s15 =	sadd.s32 s31, s13;
	s16 =	rddreg [dreg:$0x3]  }
0x13: {  	[dreg:$0xc] =	wrdreg s15;
	s8 =	sor.u32 $0x9D80, s25  }
0x14: {  	s17 =	sadd.s32 s30, s8;
	s5 =	rddreg [dreg:$0x4]  }
0x15: {  	[tilespmem:s2], [sflag:$0x1] =	stream.linear.gather [hbm4b:s16+s2], $0xFC00, $0x38;
	[tilespmem:$0x1F800] =	vst v63  }
0x16: {  	s3 =	simm.s32 $0xFC00;
	s4 =	simm.s32 $0x1;
	[dreg:$0xd] =	wrdreg s17  }
0x17: {  	[tilespmem:s3], [sflag:$0x2] =	stream.linear.gather [hbm4b:s5+s2], $0xFC00, $0x38;
	[tilespmem:$0x1F800] =	vst v63  }
0x18: {  	_ =	swait.ge [sflag:s4], $0xFC00  }
0x19: {  	[sflag:s4] =	ssyncset.done $0x0  }
0x1a: {  	s5 =	simm.s32 $0x2;
	s6 =	rddreg [dreg:$0x5];
	[sflag:s4] =	ssyncadd.s32 $0xFFFF0400  }
0x1b: {  	[hbm4b:s6+s2] =	stream.linear.scatter [tilespmem:s2], [sflag:$0x3], $0xFC00, $0x38;
	[tilespmem:$0x1F800] =	vst v63  }
0x1c: {  	_ =	swait.ge [sflag:s5], $0xFC00  }
0x1d: {  	[sflag:s5] =	ssyncset.done $0x0  }
0x1e: {  	s6 =	simm.s32 $0x3;
	s7 =	rddreg [dreg:$0x6];
	[sflag:s5] =	ssyncadd.s32 $0xFFFF0400  }
0x1f: {  	[hbm4b:s7+s2] =	stream.linear.scatter [tilespmem:s3], [sflag:$0x4], $0xFC00, $0x38;
	[tilespmem:$0x1F800] =	vst v63  }
0x20: {  	_ =	swait.ge [sflag:s6], $0xFC00  }
0x21: {  	[sflag:s6] =	ssyncset.done $0x0  }
0x22: {  	s18 =	rddreg [dreg:$0x7];
	[sflag:s6] =	ssyncadd.s32 $0xFFFF0400  }
0x23: {  	[tilespmem:s2], [sflag:$0x1] =	stream.linear.gather [hbm4b:s18+s2], $0xFC00, $0x38;
	[tilespmem:$0x1F800] =	vst v63  }
0x24: {  	_ =	swait.ge [sflag:s4], $0xFC00  }
0x25: {  	[sflag:s4] =	ssyncset.done $0x0  }
0x26: {  	s7 =	simm.s32 $0x4;
	s9 =	rddreg [dreg:$0x8];
	[sflag:s4] =	ssyncadd.s32 $0xFFFF0400  }
0x27: {  	[hbm4b:s9+s2] =	stream.linear.scatter [tilespmem:s2], [sflag:$0x3], $0xFC00, $0x38;
	[tilespmem:$0x1F800] =	vst v63  }
0x28: {  	_ =	swait.ge [sflag:s7], $0xFC00  }
0x29: {  	[sflag:s7] =	ssyncset.done $0x0  }
0x2a: {  	s19 =	rddreg [dreg:$0x9];
	[sflag:s7] =	ssyncadd.s32 $0xFFFF0400  }
0x2b: {  	[tilespmem:s3], [sflag:$0x2] =	stream.linear.gather [hbm4b:s19+s2], $0xFC00, $0x38;
	[tilespmem:$0x1F800] =	vst v63  }
0x2c: {  	_ =	swait.ge [sflag:s5], $0xFC00  }
0x2d: {  	[sflag:s5] =	ssyncset.done $0x0  }
0x2e: {  	s20 =	rddreg [dreg:$0xa];
	[sflag:s5] =	ssyncadd.s32 $0xFFFF0400  }
0x2f: {  	[hbm4b:s20+s2] =	stream.linear.scatter [tilespmem:s3], [sflag:$0x4], $0xFC00, $0x38;
	[tilespmem:$0x1F800] =	vst v63  }
0x30: {  	_ =	swait.ge [sflag:s6], $0xFC00  }
0x31: {  	[sflag:s6] =	ssyncset.done $0x0  }
0x32: {  	s21 =	rddreg [dreg:$0xb];
	[sflag:s6] =	ssyncadd.s32 $0xFFFF0400  }
0x33: {  	[tilespmem:s2], [sflag:$0x1] =	stream.linear.gather [hbm4b:s21+s2], $0xFC00, $0x38;
	[tilespmem:$0x1F800] =	vst v63  }
0x34: {  	_ =	swait.ge [sflag:s4], $0xFC00  }
0x35: {  	[sflag:s4] =	ssyncset.done $0x0  }
0x36: {  	s22 =	rddreg [dreg:$0xc];
	[sflag:s4] =	ssyncadd.s32 $0xFFFF0400  }
0x37: {  	[hbm4b:s22+s2] =	stream.linear.scatter [tilespmem:s2], [sflag:$0x3], $0xFC00, $0x38;
	[tilespmem:$0x1F800] =	vst v63  }
0x38: {  	_ =	swait.ge [sflag:s7], $0xFC00  }
0x39: {  	[sflag:s7] =	ssyncset.done $0x0  }
0x3a: {  	s23 =	rddreg [dreg:$0xd];
	[sflag:s7] =	ssyncadd.s32 $0xFFFF0400  }
0x3b: {  	[tilespmem:s3], [sflag:$0x2] =	stream.linear.gather [hbm4b:s23+s2], $0xFC00, $0x38;
	[tilespmem:$0x1F800] =	vst v63  }
0x3c: {  	_ =	swait.ge [sflag:s5], $0xFC00  }
0x3d: {  	s24 =	sadd.s32 s31, s8;
	[sflag:s5] =	ssyncset.done $0x0  }
0x3e: {  	[dreg:$0xe] =	wrdreg s24;
	[sflag:s5] =	ssyncadd.s32 $0xFFFF0400  }
0x3f: {  	[hbm4b:s24+s2] =	stream.linear.scatter [tilespmem:s3], [sflag:$0x4], $0xFC00, $0x38;
	[tilespmem:$0x1F800] =	vst v63  }
0x40: {  	_ =	swait.ge [sflag:s6], $0xFC00  }
0x41: {  	s10 =	sor.u32 $0xBD00, s25;
	[sflag:s6] =	ssyncset.done $0x0  }
0x42: {  	s9 =	sadd.s32 s30, s10;
	[sflag:s6] =	ssyncadd.s32 $0xFFFF0400  }
0x43: {  	[tilespmem:s2], [sflag:$0x1] =	stream.linear.gather [hbm4b:s9+s2], $0xFC00, $0x38;
	[tilespmem:$0x1F800] =	vst v63  }
0x44: {  	_ =	swait.ge [sflag:s4], $0xFC00  }
0x45: {  	[sflag:s4] =	ssyncset.done $0x0  }
0x46: {  	s10 =	sadd.s32 s31, s10;
	[sflag:s4] =	ssyncadd.s32 $0xFFFF0400  }
0x47: {  	[hbm4b:s10+s2] =	stream.linear.scatter [tilespmem:s2], [sflag:$0x3], $0xFC00, $0x38;
	[tilespmem:$0x1F800] =	vst v63  }
0x48: {  	_ =	swait.ge [sflag:s7], $0xFC00  }
0x49: {  	s12 =	sor.u32 $0xDC80, s25;
	[sflag:s7] =	ssyncset.done $0x0  }
0x4a: {  	s11 =	sadd.s32 s30, s12;
	[sflag:s7] =	ssyncadd.s32 $0xFFFF0400  }
0x4b: {  	[tilespmem:s3], [sflag:$0x2] =	stream.linear.gather [hbm4b:s11+s2], $0xFC00, $0x38;
	[tilespmem:$0x1F800] =	vst v63  }
0x4c: {  	_ =	swait.ge [sflag:s5], $0xFC00  }
0x4d: {  	[sflag:s5] =	ssyncset.done $0x0  }
0x4e: {  	s12 =	sadd.s32 s31, s12;
	[sflag:s5] =	ssyncadd.s32 $0xFFFF0400  }
0x4f: {  	[hbm4b:s12+s2] =	stream.linear.scatter [tilespmem:s3], [sflag:$0x4], $0xFC00, $0x38;
	[tilespmem:$0x1F800] =	vst v63  }
0x50: {  	_ =	swait.ge [sflag:s6], $0xFC00  }
0x51: {  	s14 =	sor.u32 $0xFC00, s25;
	[sflag:s6] =	ssyncset.done $0x0  }
0x52: {  	s13 =	sadd.s32 s30, s14;
	[sflag:s6] =	ssyncadd.s32 $0xFFFF0400  }
0x53: {  	[tilespmem:s2], [sflag:$0x1] =	stream.linear.gather [hbm4b:s13+s2], $0xFC00, $0x38;
	[tilespmem:$0x1F800] =	vst v63  }
0x54: {  	_ =	swait.ge [sflag:s4], $0xFC00  }
0x55: {  	[sflag:s4] =	ssyncset.done $0x0  }
0x56: {  	s14 =	sadd.s32 s31, s14;
	[sflag:s4] =	ssyncadd.s32 $0xFFFF0400  }
0x57: {  	[hbm4b:s14+s2] =	stream.linear.scatter [tilespmem:s2], [sflag:$0x3], $0xFC00, $0x38;
	[tilespmem:$0x1F800] =	vst v63  }
0x58: {  	_ =	swait.ge [sflag:s7], $0xFC00  }
0x59: {  	s16 =	sor.u32 $0x11B80, s25;
	[sflag:s7] =	ssyncset.done $0x0  }
0x5a: {  	s15 =	sadd.s32 s30, s16;
	[sflag:s7] =	ssyncadd.s32 $0xFFFF0400  }
0x5b: {  	[tilespmem:s3], [sflag:$0x2] =	stream.linear.gather [hbm4b:s15+s2], $0xFC00, $0x38;
	[tilespmem:$0x1F800] =	vst v63  }
0x5c: {  	_ =	swait.ge [sflag:s5], $0xFC00  }
0x5d: {  	[sflag:s5] =	ssyncset.done $0x0  }
0x5e: {  	s16 =	sadd.s32 s31, s16;
	[sflag:s5] =	ssyncadd.s32 $0xFFFF0400  }
0x5f: {  	[hbm4b:s16+s2] =	stream.linear.scatter [tilespmem:s3], [sflag:$0x4], $0xFC00, $0x38;
	[tilespmem:$0x1F800] =	vst v63  }
0x60: {  	_ =	swait.ge [sflag:s6], $0xFC00  }
0x61: {  	s18 =	sor.u32 $0x13B00, s25;
	[sflag:s6] =	ssyncset.done $0x0  }
0x62: {  	s17 =	sadd.s32 s30, s18;
	[sflag:s6] =	ssyncadd.s32 $0xFFFF0400  }
0x63: {  	[tilespmem:s2], [sflag:$0x1] =	stream.linear.gather [hbm4b:s17+s2], $0xFC00, $0x38;
	[tilespmem:$0x1F800] =	vst v63  }
0x64: {  	_ =	swait.ge [sflag:s4], $0xFC00  }
0x65: {  	[sflag:s4] =	ssyncset.done $0x0  }
0x66: {  	s18 =	sadd.s32 s31, s18;
	[sflag:s4] =	ssyncadd.s32 $0xFFFF0400  }
0x67: {  	[hbm4b:s18+s2] =	stream.linear.scatter [tilespmem:s2], [sflag:$0x3], $0xFC00, $0x38;
	[tilespmem:$0x1F800] =	vst v63  }
0x68: {  	_ =	swait.ge [sflag:s7], $0xFC00  }
0x69: {  	s20 =	sor.u32 $0x15A80, s25;
	[sflag:s7] =	ssyncset.done $0x0  }
0x6a: {  	s19 =	sadd.s32 s30, s20;
	[sflag:s7] =	ssyncadd.s32 $0xFFFF0400  }
0x6b: {  	[tilespmem:s3], [sflag:$0x2] =	stream.linear.gather [hbm4b:s19+s2], $0xFC00, $0x38;
	[tilespmem:$0x1F800] =	vst v63  }
0x6c: {  	_ =	swait.ge [sflag:s5], $0xFC00  }
0x6d: {  	[sflag:s5] =	ssyncset.done $0x0  }
0x6e: {  	s20 =	sadd.s32 s31, s20;
	[sflag:s5] =	ssyncadd.s32 $0xFFFF0400  }
0x6f: {  	[hbm4b:s20+s2] =	stream.linear.scatter [tilespmem:s3], [sflag:$0x4], $0xFC00, $0x38;
	[tilespmem:$0x1F800] =	vst v63  }
0x70: {  	_ =	swait.ge [sflag:s6], $0xFC00  }
0x71: {  	s22 =	sor.u32 $0x17A00, s25;
	[sflag:s6] =	ssyncset.done $0x0  }
0x72: {  	s21 =	sadd.s32 s30, s22;
	[sflag:s6] =	ssyncadd.s32 $0xFFFF0400  }
0x73: {  	[tilespmem:s2], [sflag:$0x1] =	stream.linear.gather [hbm4b:s21+s2], $0xFC00, $0x38;
	[tilespmem:$0x1F800] =	vst v63  }
0x74: {  	_ =	swait.ge [sflag:s4], $0xFC00  }
0x75: {  	[sflag:s4] =	ssyncset.done $0x0  }
0x76: {  	s22 =	sadd.s32 s31, s22;
	[sflag:s4] =	ssyncadd.s32 $0xFFFF0400  }
0x77: {  	[hbm4b:s22+s2] =	stream.linear.scatter [tilespmem:s2], [sflag:$0x3], $0xFC00, $0x38;
	[tilespmem:$0x1F800] =	vst v63  }
0x78: {  	_ =	swait.ge [sflag:s7], $0xFC00  }
0x79: {  	s24 =	sor.u32 $0x19980, s25;
	[sflag:s7] =	ssyncset.done $0x0  }
0x7a: {  	s23 =	sadd.s32 s30, s24;
	[sflag:s7] =	ssyncadd.s32 $0xFFFF0400  }
0x7b: {  	[tilespmem:s3], [sflag:$0x2] =	stream.linear.gather [hbm4b:s23+s2], $0xFC00, $0x38;
	[tilespmem:$0x1F800] =	vst v63  }
0x7c: {  	_ =	swait.ge [sflag:s5], $0xFC00  }
0x7d: {  	[sflag:s5] =	ssyncset.done $0x0  }
0x7e: {  	s24 =	sadd.s32 s31, s24;
	[sflag:s5] =	ssyncadd.s32 $0xFFFF0400  }
0x7f: {  	[hbm4b:s24+s2] =	stream.linear.scatter [tilespmem:s3], [sflag:$0x4], $0xFC00, $0x38;
	[tilespmem:$0x1F800] =	vst v63  }
0x80: {  	_ =	swait.ge [sflag:s6], $0xFC00  }
0x81: {  	s29 =	sor.u32 $0x1B900, s25;
	[sflag:s6] =	ssyncset.done $0x0  }
0x82: {  	s25 =	sadd.s32 s30, s29;
	[sflag:s6] =	ssyncadd.s32 $0xFFFF0400  }
0x83: {  	[tilespmem:s2], [sflag:$0x1] =	stream.linear.gather [hbm4b:s25+s2], $0xFC00, $0x38;
	[tilespmem:$0x1F800] =	vst v63  }
0x84: {  	_ =	swait.ge [sflag:s4], $0xFC00  }
0x85: {  	[sflag:s4] =	ssyncset.done $0x0  }
0x86: {  	s28 =	sor.u32 s26, s28;
	s26 =	sadd.s32 s31, s29;
	[sflag:s4] =	ssyncadd.s32 $0xFFFF0400  }
0x87: {  	[hbm4b:s26+s2] =	stream.linear.scatter [tilespmem:s2], [sflag:$0x3], $0xFC00, $0x38;
	[tilespmem:$0x1F800] =	vst v63  }
0x88: {  	s8 =	sshrl.u32 s28, $0x3;
	_ =	swait.ge [sflag:s7], $0xFC00  }
0x89: {  	s29 =	sor.u32 $0x1D880, s8;
	[sflag:s7] =	ssyncset.done $0x0  }
0x8a: {  	s28 =	sadd.s32 s30, s29;
	[sflag:s7] =	ssyncadd.s32 $0xFFFF0400  }
0x8b: {  	[tilespmem:s3], [sflag:$0x2] =	stream.linear.gather [hbm4b:s28+s2], $0xFC00, $0x38;
	[tilespmem:$0x1F800] =	vst v63  }
0x8c: {  	_ =	swait.ge [sflag:s5], $0xFC00  }
0x8d: {  	[sflag:s5] =	ssyncset.done $0x0  }
0x8e: {  	s29 =	sadd.s32 s31, s29;
	[sflag:s5] =	ssyncadd.s32 $0xFFFF0400  }
0x8f: {  	[hbm4b:s29+s2] =	stream.linear.scatter [tilespmem:s3], [sflag:$0x4], $0xFC00, $0x38;
	[tilespmem:$0x1F800] =	vst v63  }
0x90: {  	_ =	swait.ge [sflag:s6], $0xFC00  }
0x91: {  	s0 =	sor.u32 $0x1F800, s8;
	s8 =	ssub.s32 $0x2, s1;
	[sflag:s6] =	ssyncset.done $0x0  }
0x92: {  	s30 =	sadd.s32 s30, s0;
	s1 =	sshrl.u32 s8, $0x1;
	[sflag:s6] =	ssyncadd.s32 $0xFFFF0400  }
0x93: {  	[tilespmem:s2], [sflag:$0x1] =	stream.linear.gather [hbm4b:s30+s2], $0x4000, $0x38;
	[tilespmem:$0x1F800] =	vst v63  }
0x94: {  	s31 =	sadd.s32 s31, s0;
	s0 =	ssub.s32 s8, s1;
	_ =	swait.ge [sflag:s4], $0x4000  }
0x95: {  	s0 =	smax.u32 s0, $0x1;
	[sflag:s4] =	ssyncset.done $0x0  }
0x96: {  	p0 =	sne.s32 s0, $0x1;
	[sflag:s4] =	ssyncadd.s32 $0xFFFFC000  }
0x97: {  	[hbm4b:s31+s2] =	stream.linear.scatter [tilespmem:s2], [sflag:$0x3], $0x4000, $0x38;
	[tilespmem:$0x1F800] =	vst v63  }
.Ltmp0:
0x98: {  	_ =	swait.ge [sflag:s7], $0xFC00;
	(pc) =	sbr.rel @!p0 .LBB2_2-.Ltmp0, $4  }
0x99: {  	[sflag:s7] =	ssyncset.done $0x0  }
0x9a: {  	[sflag:s7] =	ssyncadd.s32 $0xFFFF0400  }
0x9b: {  	_ =	swait.ge [sflag:s6], $0x4000  }
0x9c: {  	s1 =	sadd.s32 $0xFFFFFFFF, s0;
	[sflag:s6] =	ssyncset.done $0x0  }
.LBB2_1:
0x9d: {  	s0 =	rddreg [dreg:$0x3];
	[sflag:s6] =	ssyncadd.s32 $0xFFFFC000  }
0x9e: {  	[tilespmem:s2], [sflag:$0x1] =	stream.linear.gather [hbm4b:s0+s2], $0xFC00, $0x38;
	[tilespmem:$0x1F800] =	vst v63  }
0x9f: {  	s8 =	rddreg [dreg:$0x4]  }
0xa0: {  	[tilespmem:s3], [sflag:$0x2] =	stream.linear.gather [hbm4b:s8+s2], $0xFC00, $0x38;
	[tilespmem:$0x1F800] =	vst v63  }
0xa1: {  	_ =	swait.ge [sflag:s4], $0xFC00  }
0xa2: {  	[sflag:s4] =	ssyncset.done $0x0  }
0xa3: {  	s8 =	rddreg [dreg:$0x5];
	[sflag:s4] =	ssyncadd.s32 $0xFFFF0400  }
0xa4: {  	[hbm4b:s8+s2] =	stream.linear.scatter [tilespmem:s2], [sflag:$0x3], $0xFC00, $0x38;
	[tilespmem:$0x1F800] =	vst v63  }
0xa5: {  	_ =	swait.ge [sflag:s5], $0xFC00  }
0xa6: {  	[sflag:s5] =	ssyncset.done $0x0  }
0xa7: {  	s8 =	rddreg [dreg:$0x6];
	[sflag:s5] =	ssyncadd.s32 $0xFFFF0400  }
0xa8: {  	[hbm4b:s8+s2] =	stream.linear.scatter [tilespmem:s3], [sflag:$0x4], $0xFC00, $0x38;
	[tilespmem:$0x1F800] =	vst v63  }
0xa9: {  	_ =	swait.ge [sflag:s6], $0xFC00  }
0xaa: {  	[sflag:s6] =	ssyncset.done $0x0  }
0xab: {  	s8 =	rddreg [dreg:$0x7];
	[sflag:s6] =	ssyncadd.s32 $0xFFFF0400  }
0xac: {  	[tilespmem:s2], [sflag:$0x1] =	stream.linear.gather [hbm4b:s8+s2], $0xFC00, $0x38;
	[tilespmem:$0x1F800] =	vst v63  }
0xad: {  	_ =	swait.ge [sflag:s4], $0xFC00  }
0xae: {  	[sflag:s4] =	ssyncset.done $0x0  }
0xaf: {  	s8 =	rddreg [dreg:$0x8];
	[sflag:s4] =	ssyncadd.s32 $0xFFFF0400  }
0xb0: {  	[hbm4b:s8+s2] =	stream.linear.scatter [tilespmem:s2], [sflag:$0x3], $0xFC00, $0x38;
	[tilespmem:$0x1F800] =	vst v63  }
0xb1: {  	_ =	swait.ge [sflag:s7], $0xFC00  }
0xb2: {  	[sflag:s7] =	ssyncset.done $0x0  }
0xb3: {  	s8 =	rddreg [dreg:$0x9];
	[sflag:s7] =	ssyncadd.s32 $0xFFFF0400  }
0xb4: {  	[tilespmem:s3], [sflag:$0x2] =	stream.linear.gather [hbm4b:s8+s2], $0xFC00, $0x38;
	[tilespmem:$0x1F800] =	vst v63  }
0xb5: {  	_ =	swait.ge [sflag:s5], $0xFC00  }
0xb6: {  	[sflag:s5] =	ssyncset.done $0x0  }
0xb7: {  	s8 =	rddreg [dreg:$0xa];
	[sflag:s5] =	ssyncadd.s32 $0xFFFF0400  }
0xb8: {  	[hbm4b:s8+s2] =	stream.linear.scatter [tilespmem:s3], [sflag:$0x4], $0xFC00, $0x38;
	[tilespmem:$0x1F800] =	vst v63  }
0xb9: {  	_ =	swait.ge [sflag:s6], $0xFC00  }
0xba: {  	[sflag:s6] =	ssyncset.done $0x0  }
0xbb: {  	s8 =	rddreg [dreg:$0xb];
	[sflag:s6] =	ssyncadd.s32 $0xFFFF0400  }
0xbc: {  	[tilespmem:s2], [sflag:$0x1] =	stream.linear.gather [hbm4b:s8+s2], $0xFC00, $0x38;
	[tilespmem:$0x1F800] =	vst v63  }
0xbd: {  	_ =	swait.ge [sflag:s4], $0xFC00  }
0xbe: {  	[sflag:s4] =	ssyncset.done $0x0  }
0xbf: {  	s8 =	rddreg [dreg:$0xc];
	[sflag:s4] =	ssyncadd.s32 $0xFFFF0400  }
0xc0: {  	[hbm4b:s8+s2] =	stream.linear.scatter [tilespmem:s2], [sflag:$0x3], $0xFC00, $0x38;
	[tilespmem:$0x1F800] =	vst v63  }
0xc1: {  	_ =	swait.ge [sflag:s7], $0xFC00  }
0xc2: {  	[sflag:s7] =	ssyncset.done $0x0  }
0xc3: {  	s8 =	rddreg [dreg:$0xd];
	[sflag:s7] =	ssyncadd.s32 $0xFFFF0400  }
0xc4: {  	[tilespmem:s3], [sflag:$0x2] =	stream.linear.gather [hbm4b:s8+s2], $0xFC00, $0x38;
	[tilespmem:$0x1F800] =	vst v63  }
0xc5: {  	_ =	swait.ge [sflag:s5], $0xFC00  }
0xc6: {  	[sflag:s5] =	ssyncset.done $0x0  }
0xc7: {  	s8 =	rddreg [dreg:$0xe];
	[sflag:s5] =	ssyncadd.s32 $0xFFFF0400  }
0xc8: {  	[hbm4b:s8+s2] =	stream.linear.scatter [tilespmem:s3], [sflag:$0x4], $0xFC00, $0x38;
	[tilespmem:$0x1F800] =	vst v63  }
0xc9: {  	_ =	swait.ge [sflag:s6], $0xFC00  }
0xca: {  	[sflag:s6] =	ssyncset.done $0x0  }
0xcb: {  	[sflag:s6] =	ssyncadd.s32 $0xFFFF0400  }
0xcc: {  	[tilespmem:s2], [sflag:$0x1] =	stream.linear.gather [hbm4b:s9+s2], $0xFC00, $0x38;
	[tilespmem:$0x1F800] =	vst v63  }
0xcd: {  	_ =	swait.ge [sflag:s4], $0xFC00  }
0xce: {  	[sflag:s4] =	ssyncset.done $0x0  }
0xcf: {  	[sflag:s4] =	ssyncadd.s32 $0xFFFF0400  }
0xd0: {  	[hbm4b:s10+s2] =	stream.linear.scatter [tilespmem:s2], [sflag:$0x3], $0xFC00, $0x38;
	[tilespmem:$0x1F800] =	vst v63  }
0xd1: {  	_ =	swait.ge [sflag:s7], $0xFC00  }
0xd2: {  	[sflag:s7] =	ssyncset.done $0x0  }
0xd3: {  	[sflag:s7] =	ssyncadd.s32 $0xFFFF0400  }
0xd4: {  	[tilespmem:s3], [sflag:$0x2] =	stream.linear.gather [hbm4b:s11+s2], $0xFC00, $0x38;
	[tilespmem:$0x1F800] =	vst v63  }
0xd5: {  	_ =	swait.ge [sflag:s5], $0xFC00  }
0xd6: {  	[sflag:s5] =	ssyncset.done $0x0  }
0xd7: {  	[sflag:s5] =	ssyncadd.s32 $0xFFFF0400  }
0xd8: {  	[hbm4b:s12+s2] =	stream.linear.scatter [tilespmem:s3], [sflag:$0x4], $0xFC00, $0x38;
	[tilespmem:$0x1F800] =	vst v63  }
0xd9: {  	_ =	swait.ge [sflag:s6], $0xFC00  }
0xda: {  	[sflag:s6] =	ssyncset.done $0x0  }
0xdb: {  	[sflag:s6] =	ssyncadd.s32 $0xFFFF0400  }
0xdc: {  	[tilespmem:s2], [sflag:$0x1] =	stream.linear.gather [hbm4b:s13+s2], $0xFC00, $0x38;
	[tilespmem:$0x1F800] =	vst v63  }
0xdd: {  	_ =	swait.ge [sflag:s4], $0xFC00  }
0xde: {  	[sflag:s4] =	ssyncset.done $0x0  }
0xdf: {  	[sflag:s4] =	ssyncadd.s32 $0xFFFF0400  }
0xe0: {  	[hbm4b:s14+s2] =	stream.linear.scatter [tilespmem:s2], [sflag:$0x3], $0xFC00, $0x38;
	[tilespmem:$0x1F800] =	vst v63  }
0xe1: {  	_ =	swait.ge [sflag:s7], $0xFC00  }
0xe2: {  	[sflag:s7] =	ssyncset.done $0x0  }
0xe3: {  	[sflag:s7] =	ssyncadd.s32 $0xFFFF0400  }
0xe4: {  	[tilespmem:s3], [sflag:$0x2] =	stream.linear.gather [hbm4b:s15+s2], $0xFC00, $0x38;
	[tilespmem:$0x1F800] =	vst v63  }
0xe5: {  	_ =	swait.ge [sflag:s5], $0xFC00  }
0xe6: {  	[sflag:s5] =	ssyncset.done $0x0  }
0xe7: {  	[sflag:s5] =	ssyncadd.s32 $0xFFFF0400  }
0xe8: {  	[hbm4b:s16+s2] =	stream.linear.scatter [tilespmem:s3], [sflag:$0x4], $0xFC00, $0x38;
	[tilespmem:$0x1F800] =	vst v63  }
0xe9: {  	_ =	swait.ge [sflag:s6], $0xFC00  }
0xea: {  	[sflag:s6] =	ssyncset.done $0x0  }
0xeb: {  	[sflag:s6] =	ssyncadd.s32 $0xFFFF0400  }
0xec: {  	[tilespmem:s2], [sflag:$0x1] =	stream.linear.gather [hbm4b:s17+s2], $0xFC00, $0x38;
	[tilespmem:$0x1F800] =	vst v63  }
0xed: {  	_ =	swait.ge [sflag:s4], $0xFC00  }
0xee: {  	[sflag:s4] =	ssyncset.done $0x0  }
0xef: {  	[sflag:s4] =	ssyncadd.s32 $0xFFFF0400  }
0xf0: {  	[hbm4b:s18+s2] =	stream.linear.scatter [tilespmem:s2], [sflag:$0x3], $0xFC00, $0x38;
	[tilespmem:$0x1F800] =	vst v63  }
0xf1: {  	_ =	swait.ge [sflag:s7], $0xFC00  }
0xf2: {  	[sflag:s7] =	ssyncset.done $0x0  }
0xf3: {  	[sflag:s7] =	ssyncadd.s32 $0xFFFF0400  }
0xf4: {  	[tilespmem:s3], [sflag:$0x2] =	stream.linear.gather [hbm4b:s19+s2], $0xFC00, $0x38;
	[tilespmem:$0x1F800] =	vst v63  }
0xf5: {  	_ =	swait.ge [sflag:s5], $0xFC00  }
0xf6: {  	[sflag:s5] =	ssyncset.done $0x0  }
0xf7: {  	[sflag:s5] =	ssyncadd.s32 $0xFFFF0400  }
0xf8: {  	[hbm4b:s20+s2] =	stream.linear.scatter [tilespmem:s3], [sflag:$0x4], $0xFC00, $0x38;
	[tilespmem:$0x1F800] =	vst v63  }
0xf9: {  	_ =	swait.ge [sflag:s6], $0xFC00  }
0xfa: {  	[sflag:s6] =	ssyncset.done $0x0  }
0xfb: {  	[sflag:s6] =	ssyncadd.s32 $0xFFFF0400  }
0xfc: {  	[tilespmem:s2], [sflag:$0x1] =	stream.linear.gather [hbm4b:s21+s2], $0xFC00, $0x38;
	[tilespmem:$0x1F800] =	vst v63  }
0xfd: {  	_ =	swait.ge [sflag:s4], $0xFC00  }
0xfe: {  	[sflag:s4] =	ssyncset.done $0x0  }
0xff: {  	[sflag:s4] =	ssyncadd.s32 $0xFFFF0400  }
0x100: {  	[hbm4b:s22+s2] =	stream.linear.scatter [tilespmem:s2], [sflag:$0x3], $0xFC00, $0x38;
	[tilespmem:$0x1F800] =	vst v63  }
0x101: {  	_ =	swait.ge [sflag:s7], $0xFC00  }
0x102: {  	[sflag:s7] =	ssyncset.done $0x0  }
0x103: {  	[sflag:s7] =	ssyncadd.s32 $0xFFFF0400  }
0x104: {  	[tilespmem:s3], [sflag:$0x2] =	stream.linear.gather [hbm4b:s23+s2], $0xFC00, $0x38;
	[tilespmem:$0x1F800] =	vst v63  }
0x105: {  	_ =	swait.ge [sflag:s5], $0xFC00  }
0x106: {  	[sflag:s5] =	ssyncset.done $0x0  }
0x107: {  	[sflag:s5] =	ssyncadd.s32 $0xFFFF0400  }
0x108: {  	[hbm4b:s24+s2] =	stream.linear.scatter [tilespmem:s3], [sflag:$0x4], $0xFC00, $0x38;
	[tilespmem:$0x1F800] =	vst v63  }
0x109: {  	_ =	swait.ge [sflag:s6], $0xFC00  }
0x10a: {  	[sflag:s6] =	ssyncset.done $0x0  }
0x10b: {  	[sflag:s6] =	ssyncadd.s32 $0xFFFF0400  }
0x10c: {  	[tilespmem:s2], [sflag:$0x1] =	stream.linear.gather [hbm4b:s25+s2], $0xFC00, $0x38;
	[tilespmem:$0x1F800] =	vst v63  }
0x10d: {  	_ =	swait.ge [sflag:s4], $0xFC00  }
0x10e: {  	[sflag:s4] =	ssyncset.done $0x0  }
0x10f: {  	[sflag:s4] =	ssyncadd.s32 $0xFFFF0400  }
0x110: {  	[hbm4b:s26+s2] =	stream.linear.scatter [tilespmem:s2], [sflag:$0x3], $0xFC00, $0x38;
	[tilespmem:$0x1F800] =	vst v63  }
0x111: {  	_ =	swait.ge [sflag:s7], $0xFC00  }
0x112: {  	[sflag:s7] =	ssyncset.done $0x0  }
0x113: {  	[sflag:s7] =	ssyncadd.s32 $0xFFFF0400  }
0x114: {  	[tilespmem:s3], [sflag:$0x2] =	stream.linear.gather [hbm4b:s28+s2], $0xFC00, $0x38;
	[tilespmem:$0x1F800] =	vst v63  }
0x115: {  	_ =	swait.ge [sflag:s5], $0xFC00  }
0x116: {  	[sflag:s5] =	ssyncset.done $0x0  }
0x117: {  	[sflag:s5] =	ssyncadd.s32 $0xFFFF0400  }
0x118: {  	[hbm4b:s29+s2] =	stream.linear.scatter [tilespmem:s3], [sflag:$0x4], $0xFC00, $0x38;
	[tilespmem:$0x1F800] =	vst v63  }
0x119: {  	_ =	swait.ge [sflag:s6], $0xFC00  }
0x11a: {  	[sflag:s6] =	ssyncset.done $0x0  }
0x11b: {  	[sflag:s6] =	ssyncadd.s32 $0xFFFF0400  }
0x11c: {  	[tilespmem:s2], [sflag:$0x1] =	stream.linear.gather [hbm4b:s30+s2], $0x4000, $0x38;
	[tilespmem:$0x1F800] =	vst v63  }
0x11d: {  	_ =	swait.ge [sflag:s4], $0x4000  }
0x11e: {  	[sflag:s4] =	ssyncset.done $0x0  }
0x11f: {  	p0 =	sne.s32 s1, $0x1;
	[sflag:s4] =	ssyncadd.s32 $0xFFFFC000  }
0x120: {  	[hbm4b:s31+s2] =	stream.linear.scatter [tilespmem:s2], [sflag:$0x3], $0x4000, $0x38;
	[tilespmem:$0x1F800] =	vst v63  }
.Ltmp1:
0x121: {  	_ =	swait.ge [sflag:s7], $0xFC00;
	(pc) =	sbr.rel @p0 .LBB2_1-.Ltmp1, $4  }
0x122: {  	[sflag:s7] =	ssyncset.done $0x0  }
0x123: {  	[sflag:s7] =	ssyncadd.s32 $0xFFFF0400  }
0x124: {  	_ =	swait.ge [sflag:s6], $0x4000  }
0x125: {  	s1 =	sadd.s32 $0xFFFFFFFF, s1;
	[sflag:s6] =	ssyncset.done $0x0  }
.LBB2_2:
0x126: {  	[sflag:s6] =	ssyncadd.s32 $0xFFFFC000  }
0x127: {  	_ =	sfence.sel $0x180000  }
0x128: {  	[bflag:$0x0] =	sbarrier.arrive $0xFFFF  }
0x129: {  	_ =	strace $0x90000047  }
0x12a: {  	s0 =	stileid.u32;
	[bflag:$0x2] =	sbarrier.arrive $0xFFFF  }
0x12b: {  	p0 =	sne.s32 s0, $0x0;
	s0 =	rddreg [dreg:$0x2]  }
0x12c: {  	s0 =	sadd.s32 @!p0 $0x100000, s0  }
0x12d: {  	[sflag:s0] =	ssyncadd.tile.s32 @!p0 $0x1;
	_ =	shalt  }
.Lfunc_end2:
_tile_overlayer_lowered:
.L_overlay_start_2:
0x12e: {  	(tag) =	ssettag $0x2  }
0x12f: {  	s0 =	rddreg [dreg:$0x0];
	s2 =	stileid.u32  }
0x130: {  	s1 =	rddreg [dreg:$0x1];
	p0 =	sne.s32 s2, $0x0  }
0x131: {  	s3 =	rddreg [dreg:$0x2];
	[bflag:$0x3] =	sbarrier.arrive $0xFFFF;
	s2 =	simm.s32 @!p0 $0x1C05  }
0x132: {  	[timem:s3], [sflag:s2] =	dma.local @!p0 [hbm:s0], s1  }
0x133: {  	s0 =	simm.s32 @!p0 $0x5  }
0x134: {  	_ =	swait.ge @!p0 [sflag:s0], s1  }
0x135: {  	s1 =	ssub.s32 @!p0 $0x0, s1;
	[sflag:s0] =	ssyncset.done @!p0 $0x0  }
0x136: {  	[sflag:s0] =	ssyncadd.s32 @!p0 s1  }
0x137: {  	[bflag:$0x3] =	sbarrier.arrive $0xFFFF  }
0x138: {  	_ =	shalt  }

</sc_bundles>
